<compile_context>
chip_gen: v7x
topology: tpu7x:2x2x1
jax: 0.10.2.dev20260603
libtpu: 0.0.44.dev20260713+nightly
codegen_flags: <defaults>
</compile_context>

<pallas_src>
import functools

import jax
import jax.numpy as jnp
from jax import lax
from jax.experimental import pallas as pl
from jax.experimental.pallas import tpu as pltpu
from jax.experimental.pallas import tpu_sc as plsc

_N = 10000
_E = 320000
_D_IN = 128
_D_HID = 64
_N_CLS = 2

_NC = 2
_NS = 16
_NW = _NC * _NS
_N_PAD = 10240
_RPT = _N_PAD // _NS
_CHUNK = 128
_CHUNKS_PW = 80
_EPW = _CHUNKS_PW * _CHUNK
_E_PAD = _NW * _EPW
_W2 = 8
_DEPTH = 4


def _mesh():
    return plsc.VectorSubcoreMesh(core_axis_name="c", subcore_axis_name="s")


_SC_PARAMS = pltpu.CompilerParams(
    use_tc_tiling_on_sc=False, internal_scratch_in_bytes=1 << 16
)



def _deg_body(dstp, ones_hbm, z1, out, dst2d, ones_v, dacc, sem_s):
    c = lax.axis_index("c")
    s = lax.axis_index("s")
    wid = s * _NC + c
    row0 = s * _RPT
    pltpu.sync_copy(z1.at[pl.ds(row0, _RPT)], dacc.at[pl.ds(row0, _RPT)])
    pltpu.sync_copy(dstp.at[wid], dst2d)
    pltpu.sync_copy(ones_hbm, ones_v)
    plsc.subcore_barrier()

    def fire(j, carry):
        pltpu.async_copy(ones_v, dacc.at[dst2d.at[j]], sem_s, add=True)
        return carry

    def drain(j, carry):
        pltpu.make_async_copy(ones_v, dacc.at[dst2d.at[0]], sem_s).wait()
        return carry

    lax.fori_loop(0, _CHUNKS_PW, fire, 0)
    lax.fori_loop(0, _CHUNKS_PW, drain, 0)
    plsc.subcore_barrier()
    pltpu.sync_copy(dacc.at[pl.ds(row0, _RPT)], out.at[c, pl.ds(row0, _RPT)])


def _deg_call(dstp, ones, z1):
    return pl.kernel(
        _deg_body,
        out_type=jax.ShapeDtypeStruct((_NC, _N_PAD), jnp.float32),
        mesh=_mesh(),
        scratch_types=[
            pltpu.VMEM((_CHUNKS_PW, _CHUNK), jnp.int32),
            pltpu.VMEM((_CHUNK,), jnp.float32),
            pltpu.VMEM_SHARED((_N_PAD,), jnp.float32),
            pltpu.SemaphoreType.DMA,
        ],
        compiler_params=_SC_PARAMS,
    )(dstp, ones, z1)


def _agg_body(srcp, dstp, tab, zz, out, src2d, dst2d,
              rows_a, rows_b, rows_c, rows_d, acc,
              sem_init, sem_ga, sem_gb, sem_gc, sem_gd,
              sem_sa, sem_sb, sem_sc, sem_sd, tab_s=None, sem_tab=None):
    c = lax.axis_index("c")
    s = lax.axis_index("s")
    wid = s * _NC + c
    row0 = s * _RPT
    for t in range(_RPT // _CHUNK):
        pltpu.async_copy(zz, acc.at[pl.ds(row0 + t * _CHUNK, _CHUNK)], sem_init)
    if tab_s is not None:
        pltpu.async_copy(tab.at[pl.ds(row0, _RPT)], tab_s.at[pl.ds(row0, _RPT)], sem_tab)
    pltpu.async_copy(srcp.at[wid], src2d, sem_ga)
    pltpu.async_copy(dstp.at[wid], dst2d, sem_gb)
    for t in range(_RPT // _CHUNK):
        pltpu.make_async_copy(zz, acc.at[pl.ds(row0, _CHUNK)], sem_init).wait()
    if tab_s is not None:
        pltpu.make_async_copy(tab.at[pl.ds(row0, _RPT)], tab_s.at[pl.ds(row0, _RPT)], sem_tab).wait()
    pltpu.make_async_copy(srcp.at[wid], src2d, sem_ga).wait()
    pltpu.make_async_copy(dstp.at[wid], dst2d, sem_gb).wait()
    plsc.subcore_barrier()
    gtab = tab if tab_s is None else tab_s

    def gather(j, buf, sem):
        pltpu.async_copy(gtab.at[src2d.at[j]], buf, sem)

    def gwait(buf, sem):
        pltpu.make_async_copy(gtab.at[src2d.at[0]], buf, sem).wait()

    def scat(j, buf, sem):
        pltpu.async_copy(buf, acc.at[dst2d.at[j]], sem, add=True)

    def swait(buf, sem):
        pltpu.make_async_copy(buf, acc.at[dst2d.at[0]], sem).wait()

    bufs = (rows_a, rows_b, rows_c, rows_d)
    gsems = (sem_ga, sem_gb, sem_gc, sem_gd)
    ssems = (sem_sa, sem_sb, sem_sc, sem_sd)

    for k in range(_DEPTH):
        gather(k, bufs[k], gsems[k])

    def step(t, carry):
        j = _DEPTH * t
        for k in range(_DEPTH):
            gwait(bufs[k], gsems[k])
            scat(j + k, bufs[k], ssems[k])
        for k in range(_DEPTH):
            swait(bufs[k], ssems[k])
            gather(j + _DEPTH + k, bufs[k], gsems[k])
        return carry

    lax.fori_loop(0, _CHUNKS_PW // _DEPTH - 1, step, 0)
    j = _CHUNKS_PW - _DEPTH
    for k in range(_DEPTH):
        gwait(bufs[k], gsems[k])
        scat(j + k, bufs[k], ssems[k])
    for k in range(_DEPTH):
        swait(bufs[k], ssems[k])

    plsc.subcore_barrier()
    pltpu.sync_copy(acc.at[pl.ds(row0, _RPT)], out.at[c, pl.ds(row0, _RPT)])


def _split_body(srcp, dstp, hsa, hsb, zz, outa, outb, src2d, dst2d,
                rows_a, rows_b, rows_c, rows_d, acc, tab_s,
                sem_init, sem_tab, sem_ga, sem_gb, sem_gc, sem_gd,
                sem_sa, sem_sb, sem_sc, sem_sd):
    c = lax.axis_index("c")
    s = lax.axis_index("s")
    row0 = s * _RPT
    nch = 2 * _CHUNKS_PW
    for t in range(_RPT // _CHUNK):
        pltpu.async_copy(zz, acc.at[pl.ds(row0 + t * _CHUNK, _CHUNK)], sem_init)
    pltpu.async_copy(srcp.at[s], src2d, sem_ga)
    pltpu.async_copy(dstp.at[s], dst2d, sem_gb)

    @pl.when(c == 0)
    def _():
        pltpu.async_copy(hsa.at[pl.ds(row0, _RPT)], tab_s.at[pl.ds(row0, _RPT)], sem_tab)

    @pl.when(c == 1)
    def _():
        pltpu.async_copy(hsb.at[pl.ds(row0, _RPT)], tab_s.at[pl.ds(row0, _RPT)], sem_tab)

    for t in range(_RPT // _CHUNK):
        pltpu.make_async_copy(zz, acc.at[pl.ds(row0, _CHUNK)], sem_init).wait()
    pltpu.make_async_copy(hsa.at[pl.ds(row0, _RPT)], tab_s.at[pl.ds(row0, _RPT)], sem_tab).wait()
    pltpu.make_async_copy(srcp.at[s], src2d, sem_ga).wait()
    pltpu.make_async_copy(dstp.at[s], dst2d, sem_gb).wait()
    plsc.subcore_barrier()

    def gather(j, buf, sem):
        pltpu.async_copy(tab_s.at[src2d.at[j]], buf, sem)

    def gwait(buf, sem):
        pltpu.make_async_copy(tab_s.at[src2d.at[0]], buf, sem).wait()

    def scat(j, buf, sem):
        pltpu.async_copy(buf, acc.at[dst2d.at[j]], sem, add=True)

    def swait(buf, sem):
        pltpu.make_async_copy(buf, acc.at[dst2d.at[0]], sem).wait()

    bufs = (rows_a, rows_b, rows_c, rows_d)
    gsems = (sem_ga, sem_gb, sem_gc, sem_gd)
    ssems = (sem_sa, sem_sb, sem_sc, sem_sd)

    for k in range(_DEPTH):
        gather(k, bufs[k], gsems[k])

    def step(t, carry):
        j = _DEPTH * t
        for k in range(_DEPTH):
            gwait(bufs[k], gsems[k])
            scat(j + k, bufs[k], ssems[k])
        for k in range(_DEPTH):
            swait(bufs[k], ssems[k])
            gather(j + _DEPTH + k, bufs[k], gsems[k])
        return carry

    lax.fori_loop(0, nch // _DEPTH - 1, step, 0)
    j = nch - _DEPTH
    for k in range(_DEPTH):
        gwait(bufs[k], gsems[k])
        scat(j + k, bufs[k], ssems[k])
    for k in range(_DEPTH):
        swait(bufs[k], ssems[k])

    plsc.subcore_barrier()

    @pl.when(c == 0)
    def _():
        pltpu.sync_copy(acc.at[pl.ds(row0, _RPT)], outa.at[pl.ds(row0, _RPT)])

    @pl.when(c == 1)
    def _():
        pltpu.sync_copy(acc.at[pl.ds(row0, _RPT)], outb.at[pl.ds(row0, _RPT)])


def _split_call(srcp2, dstp2, hsa, hsb, zz):
    return pl.kernel(
        _split_body,
        out_type=[
            jax.ShapeDtypeStruct((_N_PAD, _DH2), jnp.float32),
            jax.ShapeDtypeStruct((_N_PAD, _DH2), jnp.float32),
        ],
        mesh=_mesh(),
        scratch_types=[
            pltpu.VMEM((2 * _CHUNKS_PW, _CHUNK), jnp.int32),
            pltpu.VMEM((2 * _CHUNKS_PW, _CHUNK), jnp.int32),
            pltpu.VMEM((_CHUNK, _DH2), jnp.float32),
            pltpu.VMEM((_CHUNK, _DH2), jnp.float32),
            pltpu.VMEM((_CHUNK, _DH2), jnp.float32),
            pltpu.VMEM((_CHUNK, _DH2), jnp.float32),
            pltpu.VMEM_SHARED((_N_PAD, _DH2), jnp.float32),
            pltpu.VMEM_SHARED((_N_PAD, _DH2), jnp.float32),
        ] + [pltpu.SemaphoreType.DMA] * 10,
        compiler_params=_SC_PARAMS,
    )(srcp2, dstp2, hsa, hsb, zz)


def _agg_call(srcp, dstp, tab, zz, width, stage):
    scratch = [
        pltpu.VMEM((_CHUNKS_PW, _CHUNK), jnp.int32),
        pltpu.VMEM((_CHUNKS_PW, _CHUNK), jnp.int32),
        pltpu.VMEM((_CHUNK, width), jnp.float32),
        pltpu.VMEM((_CHUNK, width), jnp.float32),
        pltpu.VMEM((_CHUNK, width), jnp.float32),
        pltpu.VMEM((_CHUNK, width), jnp.float32),
        pltpu.VMEM_SHARED((_N_PAD, width), jnp.float32),
    ] + [pltpu.SemaphoreType.DMA] * 9
    if stage:
        scratch += [
            pltpu.VMEM_SHARED((_N_PAD, width), jnp.float32),
            pltpu.SemaphoreType.DMA,
        ]
    return pl.kernel(
        _agg_body,
        out_type=jax.ShapeDtypeStruct((_NC, _N_PAD, width), jnp.float32),
        mesh=_mesh(),
        scratch_types=scratch,
        compiler_params=_SC_PARAMS,
    )(srcp, dstp, tab, zz)



_BLK = 1024


_DH2 = _D_HID // 2


def _scale_mm_body(x_ref, w_ref, degp_ref, hsa_ref, hsb_ref, dinv_ref):
    deg = degp_ref[0] + degp_ref[1] + 1.0
    dinv = 1.0 / jnp.sqrt(deg)
    h = jnp.dot(x_ref[...], w_ref[...], preferred_element_type=jnp.float32)
    hs = h * dinv
    hsa_ref[...] = hs[:, :_DH2]
    hsb_ref[...] = hs[:, _DH2:]
    dinv_ref[...] = dinv


def _scale_mm(xp, W1, degp):
    grid = (_N_PAD // _BLK,)
    return pl.pallas_call(
        _scale_mm_body,
        grid=grid,
        in_specs=[
            pl.BlockSpec((_BLK, _D_IN), lambda i: (i, 0)),
            pl.BlockSpec((_D_IN, _D_HID), lambda i: (0, 0)),
            pl.BlockSpec((_NC, _BLK, 1), lambda i: (0, i, 0)),
        ],
        out_specs=[
            pl.BlockSpec((_BLK, _DH2), lambda i: (i, 0)),
            pl.BlockSpec((_BLK, _DH2), lambda i: (i, 0)),
            pl.BlockSpec((_BLK, 1), lambda i: (i, 0)),
        ],
        out_shape=[
            jax.ShapeDtypeStruct((_N_PAD, _DH2), jnp.float32),
            jax.ShapeDtypeStruct((_N_PAD, _DH2), jnp.float32),
            jax.ShapeDtypeStruct((_N_PAD, 1), jnp.float32),
        ],
    )(xp, W1, degp)


def _layer2_body(agga_ref, aggb_ref, hsa_ref, hsb_ref, dinv_ref, b1_ref, w2_ref,
                 hs2_ref):
    dinv = dinv_ref[...]
    ha = agga_ref[...] + hsa_ref[...]
    hb = aggb_ref[...] + hsb_ref[...]
    h = dinv * jnp.concatenate([ha, hb], axis=1) + b1_ref[...]
    h = jnp.maximum(h, 0.0)
    hs2_ref[...] = jnp.dot(h, w2_ref[...], preferred_element_type=jnp.float32) * dinv


def _layer2(agga, aggb, hsa, hsb, dinv, b1, W2):
    grid = (_N_PAD // _BLK,)
    return pl.pallas_call(
        _layer2_body,
        grid=grid,
        in_specs=[
            pl.BlockSpec((_BLK, _DH2), lambda i: (i, 0)),
            pl.BlockSpec((_BLK, _DH2), lambda i: (i, 0)),
            pl.BlockSpec((_BLK, _DH2), lambda i: (i, 0)),
            pl.BlockSpec((_BLK, _DH2), lambda i: (i, 0)),
            pl.BlockSpec((_BLK, 1), lambda i: (i, 0)),
            pl.BlockSpec((1, _D_HID), lambda i: (0, 0)),
            pl.BlockSpec((_D_HID, _W2), lambda i: (0, 0)),
        ],
        out_specs=pl.BlockSpec((_BLK, _W2), lambda i: (i, 0)),
        out_shape=jax.ShapeDtypeStruct((_N_PAD, _W2), jnp.float32),
    )(agga, aggb, hsa, hsb, dinv, b1, W2)


def _final_body(aggp_ref, hs2_ref, dinv_ref, b2_ref, out_ref):
    out_ref[...] = (
        dinv_ref[...] * (aggp_ref[0] + aggp_ref[1] + hs2_ref[...]) + b2_ref[...]
    )


def _final(aggp, hs2, dinv, b2):
    return pl.pallas_call(
        _final_body,
        out_shape=jax.ShapeDtypeStruct((_N_PAD, _W2), jnp.float32),
    )(aggp, hs2, dinv, b2)



@jax.jit
def kernel(x, edge_index, W1, b1, W2, b2):
    f32 = jnp.float32
    pad_idx = jnp.full((_E_PAD - _E,), _N, jnp.int32)
    srcp = jnp.concatenate([edge_index[0], pad_idx]).reshape(_NW, _CHUNKS_PW, _CHUNK)
    dstp = jnp.concatenate([edge_index[1], pad_idx]).reshape(_NW, _CHUNKS_PW, _CHUNK)
    xp = jnp.pad(x, ((0, _N_PAD - _N), (0, 0)))

    ones = jnp.ones((_CHUNK,), f32)
    z1 = jnp.zeros((_N_PAD,), f32)
    z32 = jnp.zeros((_CHUNK, _DH2), f32)
    z2 = jnp.zeros((_CHUNK, _W2), f32)

    W2p = jnp.pad(W2, ((0, 0), (0, _W2 - _N_CLS)))
    b2p = jnp.pad(b2, (0, _W2 - _N_CLS)).reshape(1, _W2)

    degp = _deg_call(dstp, ones, z1)
    hsa, hsb, dinv = _scale_mm(xp, W1, degp.reshape(_NC, _N_PAD, 1))
    srcp2 = srcp.reshape(_NS, 2 * _CHUNKS_PW, _CHUNK)
    dstp2 = dstp.reshape(_NS, 2 * _CHUNKS_PW, _CHUNK)
    agga, aggb = _split_call(srcp2, dstp2, hsa, hsb, z32)
    hs2 = _layer2(agga, aggb, hsa, hsb, dinv, b1.reshape(1, _D_HID), W2p)
    agg2 = _agg_call(srcp, dstp, hs2, z2, _W2, stage=True)
    outp = _final(agg2, hs2, dinv, b2p)
    return outp[:_N, :_N_CLS]

# --- scband reference (transcript-rebuilt; emitter-appended) ---
"""Pipeline reference for scband-gcnclassifier-23648089931784 (READ-ONLY COPY).

The authoritative reference and input builder live on the scoring server;
editing this copy changes nothing except your own understanding.
"""

import jax, jax.numpy as jnp
import numpy as np

N = 10000
E = 320000
D_IN = 128
D_HID = 64
N_CLS = 2

def setup_inputs(seed: int = 0) -> dict:
    key = jax.random.key(seed)
    k1, k2, k3, k4 = jax.random.split(key, 4)
    x = jax.random.normal(k1, (N, D_IN), dtype=jnp.float32)
    edge_index = jax.random.randint(k2, (2, E), 0, N, dtype=jnp.int32)
    W1 = jax.random.normal(k3, (D_IN, D_HID), dtype=jnp.float32) * (1.0 / np.sqrt(D_IN))
    b1 = jnp.zeros((D_HID,), dtype=jnp.float32)
    W2 = jax.random.normal(k4, (D_HID, N_CLS), dtype=jnp.float32) * (1.0 / np.sqrt(D_HID))
    b2 = jnp.zeros((N_CLS,), dtype=jnp.float32)
    return {"x": x, "edge_index": edge_index, "W1": W1, "b1": b1, "W2": W2, "b2": b2}

def _gcn_conv(x, src, dst, W, b):
    # GCNConv: D^{-1/2} (A + I) D^{-1/2} X W + b  (self-loops already appended to src/dst)
    n = x.shape[0]
    deg = jnp.zeros((n,), dtype=x.dtype).at[dst].add(1.0)
    dinv = jnp.where(deg > 0, 1.0 / jnp.sqrt(deg), 0.0)
    norm = dinv[src] * dinv[dst]
    h = x @ W
    msg = h[src] * norm[:, None]
    out = jnp.zeros((n, W.shape[1]), dtype=x.dtype).at[dst].add(msg)
    return out + b

def reference(x, edge_index, W1, b1, W2, b2):
    n = x.shape[0]
    loop = jnp.arange(n, dtype=edge_index.dtype)
    src = jnp.concatenate([edge_index[0], loop])
    dst = jnp.concatenate([edge_index[1], loop])
    h = jax.nn.relu(_gcn_conv(x, src, dst, W1, b1))
    # F.dropout with training=False is identity in eval mode
    out = _gcn_conv(h, src, dst, W2, b2)
    return out

if __name__ == "__main__":
    import jax
    _d = setup_inputs()
    print(jax.jit(kernel)(*tuple(_d.values())))

</pallas_src>

<mosaic_0001>
#map = affine_map<(d0, d1) -> (0, 0, 0)>
#map1 = affine_map<(d0, d1) -> (0)>
#map2 = affine_map<(d0, d1) -> (0, 0)>
module attributes {stable_mosaic.version = 14 : i64} {
  func.func @_deg_body(%arg0: i32, %arg1: i32, %arg2: memref<32x80x128xi32, #tpu.memory_space<hbm>>, %arg3: memref<128xf32, #tpu.memory_space<hbm>>, %arg4: memref<10240xf32, #tpu.memory_space<hbm>>, %arg5: memref<2x10240xf32, #tpu.memory_space<hbm>>, %arg6: memref<80x128xi32, #tpu.memory_space<vmem>>, %arg7: memref<128xf32, #tpu.memory_space<vmem>>, %arg8: memref<10240xf32, #tpu.memory_space<vmem_shared>>, %arg9: memref<!tpu.dma_semaphore, #tpu.memory_space<semaphore_mem>>) attributes {dimension_semantics = [#tpu.dimension_semantics<core_parallel>, #tpu.dimension_semantics<subcore_parallel>], iteration_bounds = array<i64: 2, 16>, scalar_prefetch = 0 : i64, scratch_operands = 4 : i64, tpu.core_type = #tpu.core_type<sc_vector_subcore>, window_params = [{transform_indices = #map}, {transform_indices = #map1}, {transform_indices = #map1}, {transform_indices = #map2}]} {
    %mul3A = arith.constant 2 : i32
    %mul3A_0 = arith.muli %arg1, %mul3A : i32
    %add3A = arith.addi %mul3A_0, %arg0 : i32
    %mul3A_1 = arith.constant 640 : i32
    %mul3A_2 = arith.muli %arg1, %mul3A_1 : i32
    "tpu.region"() ({
      %run_scoped3A = tpu.sem_alloc : memref<!tpu.dma_semaphore, #tpu.memory_space<semaphore_mem>>
      %dma_start3A = tpu.memref_slice %arg8[%mul3A_2] : memref<10240xf32, #tpu.memory_space<vmem_shared>> -> memref<640xf32, #tpu.memory_space<vmem_shared>>
      %dma_start3A_15 = tpu.memref_slice %arg4[%mul3A_2] : memref<10240xf32, #tpu.memory_space<hbm>> -> memref<640xf32, #tpu.memory_space<hbm>>
      tpu.enqueue_dma source(%dma_start3A_15 : memref<640xf32, #tpu.memory_space<hbm>>) target(%dma_start3A : memref<640xf32, #tpu.memory_space<vmem_shared>>) target_semaphore(%run_scoped3A : memref<!tpu.dma_semaphore, #tpu.memory_space<semaphore_mem>>)
      %dma_wait3A = tpu.memref_slice %arg8[%mul3A_2] : memref<10240xf32, #tpu.memory_space<vmem_shared>> -> memref<640xf32, #tpu.memory_space<vmem_shared>>
      %dma_wait3A_16 = tpu.memref_slice %arg4[%mul3A_2] : memref<10240xf32, #tpu.memory_space<hbm>> -> memref<640xf32, #tpu.memory_space<hbm>>
      tpu.wait_dma2 semaphore(%run_scoped3A : memref<!tpu.dma_semaphore, #tpu.memory_space<semaphore_mem>>) src(%dma_wait3A_16 : memref<640xf32, #tpu.memory_space<hbm>>) dst(%dma_wait3A : memref<640xf32, #tpu.memory_space<vmem_shared>>)
      tpu.yield
    }) : () -> ()
    "tpu.region"() ({
      %run_scoped3A = tpu.sem_alloc : memref<!tpu.dma_semaphore, #tpu.memory_space<semaphore_mem>>
      %dma_start3A = arith.constant 0 : i32
      %dma_start3A_15 = arith.constant 0 : i32
      %dma_start3A_16 = tpu.memref_slice %arg2[%add3A, %dma_start3A, %dma_start3A_15] : memref<32x80x128xi32, #tpu.memory_space<hbm>> -> memref<1x80x128xi32, #tpu.memory_space<hbm>>
      %dma_start3A_17 = tpu.memref_squeeze %dma_start3A_16 : memref<1x80x128xi32, #tpu.memory_space<hbm>> -> memref<80x128xi32, #tpu.memory_space<hbm>>
      %dma_start3A_18 = arith.constant 0 : i32
      %dma_start3A_19 = arith.constant 0 : i32
      %dma_start3A_20 = tpu.memref_slice %arg2[%add3A, %dma_start3A_18, %dma_start3A_19] : memref<32x80x128xi32, #tpu.memory_space<hbm>> -> memref<1x80x128xi32, #tpu.memory_space<hbm>>
      %dma_start3A_21 = tpu.memref_squeeze %dma_start3A_20 : memref<1x80x128xi32, #tpu.memory_space<hbm>> -> memref<80x128xi32, #tpu.memory_space<hbm>>
      tpu.enqueue_dma source(%dma_start3A_21 : memref<80x128xi32, #tpu.memory_space<hbm>>) target(%arg6 : memref<80x128xi32, #tpu.memory_space<vmem>>) target_semaphore(%run_scoped3A : memref<!tpu.dma_semaphore, #tpu.memory_space<semaphore_mem>>)
      %dma_wait3A = arith.constant 0 : i32
      %dma_wait3A_22 = arith.constant 0 : i32
      %dma_wait3A_23 = tpu.memref_slice %arg2[%add3A, %dma_wait3A, %dma_wait3A_22] : memref<32x80x128xi32, #tpu.memory_space<hbm>> -> memref<1x80x128xi32, #tpu.memory_space<hbm>>
      %dma_wait3A_24 = tpu.memref_squeeze %dma_wait3A_23 : memref<1x80x128xi32, #tpu.memory_space<hbm>> -> memref<80x128xi32, #tpu.memory_space<hbm>>
      %dma_wait3A_25 = arith.constant 0 : i32
      %dma_wait3A_26 = arith.constant 0 : i32
      %dma_wait3A_27 = tpu.memref_slice %arg2[%add3A, %dma_wait3A_25, %dma_wait3A_26] : memref<32x80x128xi32, #tpu.memory_space<hbm>> -> memref<1x80x128xi32, #tpu.memory_space<hbm>>
      %dma_wait3A_28 = tpu.memref_squeeze %dma_wait3A_27 : memref<1x80x128xi32, #tpu.memory_space<hbm>> -> memref<80x128xi32, #tpu.memory_space<hbm>>
      tpu.wait_dma2 semaphore(%run_scoped3A : memref<!tpu.dma_semaphore, #tpu.memory_space<semaphore_mem>>) src(%dma_wait3A_28 : memref<80x128xi32, #tpu.memory_space<hbm>>) dst(%arg6 : memref<80x128xi32, #tpu.memory_space<vmem>>)
      tpu.yield
    }) : () -> ()
    "tpu.region"() ({
      %run_scoped3A = tpu.sem_alloc : memref<!tpu.dma_semaphore, #tpu.memory_space<semaphore_mem>>
      tpu.enqueue_dma source(%arg3 : memref<128xf32, #tpu.memory_space<hbm>>) target(%arg7 : memref<128xf32, #tpu.memory_space<vmem>>) target_semaphore(%run_scoped3A : memref<!tpu.dma_semaphore, #tpu.memory_space<semaphore_mem>>)
      tpu.wait_dma2 semaphore(%run_scoped3A : memref<!tpu.dma_semaphore, #tpu.memory_space<semaphore_mem>>) src(%arg3 : memref<128xf32, #tpu.memory_space<hbm>>) dst(%arg7 : memref<128xf32, #tpu.memory_space<vmem>>)
      tpu.yield
    }) : () -> ()
    %barrier3A = arith.constant 0 : index
    tpu.barrier barrier_id(%barrier3A)
    %scan3A = arith.constant 0 : i32
    %scan3A_3 = arith.constant 0 : i32
    %scan3A_4 = arith.constant 80 : i32
    %scan3A_5 = arith.addi %scan3A_3, %scan3A_4 : i32
    %scan3A_6 = arith.constant 1 : i32
    scf.for %scan3A_15 = %scan3A_3 to %scan3A_5 step %scan3A_6  : i32 {
      %dma_start3A = arith.constant 0 : i32
      %dma_start3A_16 = tpu.memref_slice %arg6[%scan3A_15, %dma_start3A] : memref<80x128xi32, #tpu.memory_space<vmem>> -> memref<1x128xi32, #tpu.memory_space<vmem>>
      %dma_start3A_17 = tpu.memref_squeeze %dma_start3A_16 : memref<1x128xi32, #tpu.memory_space<vmem>> -> memref<128xi32, #tpu.memory_space<vmem>>
      %dma_start3A_18 = arith.constant 0 : i32
      %dma_start3A_19 = tpu.memref_slice %arg8[%dma_start3A_18] : memref<10240xf32, #tpu.memory_space<vmem_shared>> -> memref<10240xf32, #tpu.memory_space<vmem_shared>>
      tpu.enqueue_indirect_dma source(%arg7 : memref<128xf32, #tpu.memory_space<vmem>>) target(%dma_start3A_19 : memref<10240xf32, #tpu.memory_space<vmem_shared>>) offsets(%dma_start3A_17 : memref<128xi32, #tpu.memory_space<vmem>>) semaphore(%arg9 : memref<!tpu.dma_semaphore, #tpu.memory_space<semaphore_mem>>) {add = true}
    }
    %scan3A_7 = arith.constant 80 : i32
    %scan3A_8 = arith.constant 0 : i32
    %scan3A_9 = arith.constant 0 : i32
    %scan3A_10 = arith.constant 80 : i32
    %scan3A_11 = arith.addi %scan3A_9, %scan3A_10 : i32
    %scan3A_12 = arith.constant 1 : i32
    scf.for %scan3A_15 = %scan3A_9 to %scan3A_11 step %scan3A_12  : i32 {
      %dma_wait3A = arith.constant 0 : i32
      %dma_wait3A_16 = arith.constant 0 : i32
      %dma_wait3A_17 = tpu.memref_slice %arg6[%dma_wait3A, %dma_wait3A_16] : memref<80x128xi32, #tpu.memory_space<vmem>> -> memref<1x128xi32, #tpu.memory_space<vmem>>
      %dma_wait3A_18 = tpu.memref_squeeze %dma_wait3A_17 : memref<1x128xi32, #tpu.memory_space<vmem>> -> memref<128xi32, #tpu.memory_space<vmem>>
      %dma_wait3A_19 = arith.constant 0 : i32
      %dma_wait3A_20 = tpu.memref_slice %arg8[%dma_wait3A_19] : memref<10240xf32, #tpu.memory_space<vmem_shared>> -> memref<10240xf32, #tpu.memory_space<vmem_shared>>
      tpu.wait_indirect_dma semaphore(%arg9 : memref<!tpu.dma_semaphore, #tpu.memory_space<semaphore_mem>>) src(%arg7 : memref<128xf32, #tpu.memory_space<vmem>>) dst(%dma_wait3A_20 : memref<10240xf32, #tpu.memory_space<vmem_shared>>)
    }
    %scan3A_13 = arith.constant 80 : i32
    %barrier3A_14 = arith.constant 0 : index
    tpu.barrier barrier_id(%barrier3A_14)
    "tpu.region"() ({
      %run_scoped3A = tpu.sem_alloc : memref<!tpu.dma_semaphore, #tpu.memory_space<semaphore_mem>>
      %dma_start3A = tpu.memref_slice %arg5[%arg0, %mul3A_2] : memref<2x10240xf32, #tpu.memory_space<hbm>> -> memref<1x640xf32, #tpu.memory_space<hbm>>
      %dma_start3A_15 = tpu.memref_squeeze %dma_start3A : memref<1x640xf32, #tpu.memory_space<hbm>> -> memref<640xf32, #tpu.memory_space<hbm>>
      %dma_start3A_16 = tpu.memref_slice %arg8[%mul3A_2] : memref<10240xf32, #tpu.memory_space<vmem_shared>> -> memref<640xf32, #tpu.memory_space<vmem_shared>>
      tpu.enqueue_dma source(%dma_start3A_16 : memref<640xf32, #tpu.memory_space<vmem_shared>>) target(%dma_start3A_15 : memref<640xf32, #tpu.memory_space<hbm>>) target_semaphore(%run_scoped3A : memref<!tpu.dma_semaphore, #tpu.memory_space<semaphore_mem>>)
      %dma_wait3A = tpu.memref_slice %arg5[%arg0, %mul3A_2] : memref<2x10240xf32, #tpu.memory_space<hbm>> -> memref<1x640xf32, #tpu.memory_space<hbm>>
      %dma_wait3A_17 = tpu.memref_squeeze %dma_wait3A : memref<1x640xf32, #tpu.memory_space<hbm>> -> memref<640xf32, #tpu.memory_space<hbm>>
      %dma_wait3A_18 = tpu.memref_slice %arg8[%mul3A_2] : memref<10240xf32, #tpu.memory_space<vmem_shared>> -> memref<640xf32, #tpu.memory_space<vmem_shared>>
      tpu.wait_dma2 semaphore(%run_scoped3A : memref<!tpu.dma_semaphore, #tpu.memory_space<semaphore_mem>>) src(%dma_wait3A_18 : memref<640xf32, #tpu.memory_space<vmem_shared>>) dst(%dma_wait3A_17 : memref<640xf32, #tpu.memory_space<hbm>>)
      tpu.yield
    }) : () -> ()
    return
  }
}

#map = affine_map<(d0, d1) -> (0, 0, 0)>
#map1 = affine_map<(d0, d1) -> (0, 0)>
module attributes {stable_mosaic.version = 14 : i64} {
  func.func @_agg_body(%arg0: i32, %arg1: i32, %arg2: memref<32x80x128xi32, #tpu.memory_space<hbm>>, %arg3: memref<32x80x128xi32, #tpu.memory_space<hbm>>, %arg4: memref<10240x8xf32, #tpu.memory_space<hbm>>, %arg5: memref<128x8xf32, #tpu.memory_space<hbm>>, %arg6: memref<2x10240x8xf32, #tpu.memory_space<hbm>>, %arg7: memref<80x128xi32, #tpu.memory_space<vmem>>, %arg8: memref<80x128xi32, #tpu.memory_space<vmem>>, %arg9: memref<128x8xf32, #tpu.memory_space<vmem>>, %arg10: memref<128x8xf32, #tpu.memory_space<vmem>>, %arg11: memref<128x8xf32, #tpu.memory_space<vmem>>, %arg12: memref<128x8xf32, #tpu.memory_space<vmem>>, %arg13: memref<10240x8xf32, #tpu.memory_space<vmem_shared>>, %arg14: memref<!tpu.dma_semaphore, #tpu.memory_space<semaphore_mem>>, %arg15: memref<!tpu.dma_semaphore, #tpu.memory_space<semaphore_mem>>, %arg16: memref<!tpu.dma_semaphore, #tpu.memory_space<semaphore_mem>>, %arg17: memref<!tpu.dma_semaphore, #tpu.memory_space<semaphore_mem>>, %arg18: memref<!tpu.dma_semaphore, #tpu.memory_space<semaphore_mem>>, %arg19: memref<!tpu.dma_semaphore, #tpu.memory_space<semaphore_mem>>, %arg20: memref<!tpu.dma_semaphore, #tpu.memory_space<semaphore_mem>>, %arg21: memref<!tpu.dma_semaphore, #tpu.memory_space<semaphore_mem>>, %arg22: memref<!tpu.dma_semaphore, #tpu.memory_space<semaphore_mem>>, %arg23: memref<10240x8xf32, #tpu.memory_space<vmem_shared>>, %arg24: memref<!tpu.dma_semaphore, #tpu.memory_space<semaphore_mem>>) attributes {dimension_semantics = [#tpu.dimension_semantics<core_parallel>, #tpu.dimension_semantics<subcore_parallel>], iteration_bounds = array<i64: 2, 16>, scalar_prefetch = 0 : i64, scratch_operands = 18 : i64, tpu.core_type = #tpu.core_type<sc_vector_subcore>, window_params = [{transform_indices = #map}, {transform_indices = #map}, {transform_indices = #map1}, {transform_indices = #map1}, {transform_indices = #map}]} {
    %mul3A = arith.constant 2 : i32
    %mul3A_0 = arith.muli %arg1, %mul3A : i32
    %add3A = arith.addi %mul3A_0, %arg0 : i32
    %mul3A_1 = arith.constant 640 : i32
    %mul3A_2 = arith.muli %arg1, %mul3A_1 : i32
    %add3A_3 = arith.constant 0 : i32
    %add3A_4 = arith.addi %mul3A_2, %add3A_3 : i32
    %dma_start3A = arith.constant 0 : i32
    %dma_start3A_5 = tpu.memref_slice %arg13[%add3A_4, %dma_start3A] : memref<10240x8xf32, #tpu.memory_space<vmem_shared>> -> memref<128x8xf32, #tpu.memory_space<vmem_shared>>
    tpu.enqueue_dma source(%arg5 : memref<128x8xf32, #tpu.memory_space<hbm>>) target(%dma_start3A_5 : memref<128x8xf32, #tpu.memory_space<vmem_shared>>) target_semaphore(%arg14 : memref<!tpu.dma_semaphore, #tpu.memory_space<semaphore_mem>>)
    %add3A_6 = arith.constant 128 : i32
    %add3A_7 = arith.addi %mul3A_2, %add3A_6 : i32
    %dma_start3A_8 = arith.constant 0 : i32
    %dma_start3A_9 = tpu.memref_slice %arg13[%add3A_7, %dma_start3A_8] : memref<10240x8xf32, #tpu.memory_space<vmem_shared>> -> memref<128x8xf32, #tpu.memory_space<vmem_shared>>
    tpu.enqueue_dma source(%arg5 : memref<128x8xf32, #tpu.memory_space<hbm>>) target(%dma_start3A_9 : memref<128x8xf32, #tpu.memory_space<vmem_shared>>) target_semaphore(%arg14 : memref<!tpu.dma_semaphore, #tpu.memory_space<semaphore_mem>>)
    %add3A_10 = arith.constant 256 : i32
    %add3A_11 = arith.addi %mul3A_2, %add3A_10 : i32
    %dma_start3A_12 = arith.constant 0 : i32
    %dma_start3A_13 = tpu.memref_slice %arg13[%add3A_11, %dma_start3A_12] : memref<10240x8xf32, #tpu.memory_space<vmem_shared>> -> memref<128x8xf32, #tpu.memory_space<vmem_shared>>
    tpu.enqueue_dma source(%arg5 : memref<128x8xf32, #tpu.memory_space<hbm>>) target(%dma_start3A_13 : memref<128x8xf32, #tpu.memory_space<vmem_shared>>) target_semaphore(%arg14 : memref<!tpu.dma_semaphore, #tpu.memory_space<semaphore_mem>>)
    %add3A_14 = arith.constant 384 : i32
    %add3A_15 = arith.addi %mul3A_2, %add3A_14 : i32
    %dma_start3A_16 = arith.constant 0 : i32
    %dma_start3A_17 = tpu.memref_slice %arg13[%add3A_15, %dma_start3A_16] : memref<10240x8xf32, #tpu.memory_space<vmem_shared>> -> memref<128x8xf32, #tpu.memory_space<vmem_shared>>
    tpu.enqueue_dma source(%arg5 : memref<128x8xf32, #tpu.memory_space<hbm>>) target(%dma_start3A_17 : memref<128x8xf32, #tpu.memory_space<vmem_shared>>) target_semaphore(%arg14 : memref<!tpu.dma_semaphore, #tpu.memory_space<semaphore_mem>>)
    %add3A_18 = arith.constant 512 : i32
    %add3A_19 = arith.addi %mul3A_2, %add3A_18 : i32
    %dma_start3A_20 = arith.constant 0 : i32
    %dma_start3A_21 = tpu.memref_slice %arg13[%add3A_19, %dma_start3A_20] : memref<10240x8xf32, #tpu.memory_space<vmem_shared>> -> memref<128x8xf32, #tpu.memory_space<vmem_shared>>
    tpu.enqueue_dma source(%arg5 : memref<128x8xf32, #tpu.memory_space<hbm>>) target(%dma_start3A_21 : memref<128x8xf32, #tpu.memory_space<vmem_shared>>) target_semaphore(%arg14 : memref<!tpu.dma_semaphore, #tpu.memory_space<semaphore_mem>>)
    %dma_start3A_22 = arith.constant 0 : i32
    %dma_start3A_23 = tpu.memref_slice %arg23[%mul3A_2, %dma_start3A_22] : memref<10240x8xf32, #tpu.memory_space<vmem_shared>> -> memref<640x8xf32, #tpu.memory_space<vmem_shared>>
    %dma_start3A_24 = arith.constant 0 : i32
    %dma_start3A_25 = tpu.memref_slice %arg4[%mul3A_2, %dma_start3A_24] : memref<10240x8xf32, #tpu.memory_space<hbm>> -> memref<640x8xf32, #tpu.memory_space<hbm>>
    tpu.enqueue_dma source(%dma_start3A_25 : memref<640x8xf32, #tpu.memory_space<hbm>>) target(%dma_start3A_23 : memref<640x8xf32, #tpu.memory_space<vmem_shared>>) target_semaphore(%arg24 : memref<!tpu.dma_semaphore, #tpu.memory_space<semaphore_mem>>)
    %dma_start3A_26 = arith.constant 0 : i32
    %dma_start3A_27 = arith.constant 0 : i32
    %dma_start3A_28 = tpu.memref_slice %arg2[%add3A, %dma_start3A_26, %dma_start3A_27] : memref<32x80x128xi32, #tpu.memory_space<hbm>> -> memref<1x80x128xi32, #tpu.memory_space<hbm>>
    %dma_start3A_29 = tpu.memref_squeeze %dma_start3A_28 : memref<1x80x128xi32, #tpu.memory_space<hbm>> -> memref<80x128xi32, #tpu.memory_space<hbm>>
    %dma_start3A_30 = arith.constant 0 : i32
    %dma_start3A_31 = arith.constant 0 : i32
    %dma_start3A_32 = tpu.memref_slice %arg2[%add3A, %dma_start3A_30, %dma_start3A_31] : memref<32x80x128xi32, #tpu.memory_space<hbm>> -> memref<1x80x128xi32, #tpu.memory_space<hbm>>
    %dma_start3A_33 = tpu.memref_squeeze %dma_start3A_32 : memref<1x80x128xi32, #tpu.memory_space<hbm>> -> memref<80x128xi32, #tpu.memory_space<hbm>>
    tpu.enqueue_dma source(%dma_start3A_33 : memref<80x128xi32, #tpu.memory_space<hbm>>) target(%arg7 : memref<80x128xi32, #tpu.memory_space<vmem>>) target_semaphore(%arg15 : memref<!tpu.dma_semaphore, #tpu.memory_space<semaphore_mem>>)
    %dma_start3A_34 = arith.constant 0 : i32
    %dma_start3A_35 = arith.constant 0 : i32
    %dma_start3A_36 = tpu.memref_slice %arg3[%add3A, %dma_start3A_34, %dma_start3A_35] : memref<32x80x128xi32, #tpu.memory_space<hbm>> -> memref<1x80x128xi32, #tpu.memory_space<hbm>>
    %dma_start3A_37 = tpu.memref_squeeze %dma_start3A_36 : memref<1x80x128xi32, #tpu.memory_space<hbm>> -> memref<80x128xi32, #tpu.memory_space<hbm>>
    %dma_start3A_38 = arith.constant 0 : i32
    %dma_start3A_39 = arith.constant 0 : i32
    %dma_start3A_40 = tpu.memref_slice %arg3[%add3A, %dma_start3A_38, %dma_start3A_39] : memref<32x80x128xi32, #tpu.memory_space<hbm>> -> memref<1x80x128xi32, #tpu.memory_space<hbm>>
    %dma_start3A_41 = tpu.memref_squeeze %dma_start3A_40 : memref<1x80x128xi32, #tpu.memory_space<hbm>> -> memref<80x128xi32, #tpu.memory_space<hbm>>
    tpu.enqueue_dma source(%dma_start3A_41 : memref<80x128xi32, #tpu.memory_space<hbm>>) target(%arg8 : memref<80x128xi32, #tpu.memory_space<vmem>>) target_semaphore(%arg16 : memref<!tpu.dma_semaphore, #tpu.memory_space<semaphore_mem>>)
    %dma_wait3A = arith.constant 0 : i32
    %dma_wait3A_42 = tpu.memref_slice %arg13[%mul3A_2, %dma_wait3A] : memref<10240x8xf32, #tpu.memory_space<vmem_shared>> -> memref<128x8xf32, #tpu.memory_space<vmem_shared>>
    tpu.wait_dma2 semaphore(%arg14 : memref<!tpu.dma_semaphore, #tpu.memory_space<semaphore_mem>>) src(%arg5 : memref<128x8xf32, #tpu.memory_space<hbm>>) dst(%dma_wait3A_42 : memref<128x8xf32, #tpu.memory_space<vmem_shared>>)
    %dma_wait3A_43 = arith.constant 0 : i32
    %dma_wait3A_44 = tpu.memref_slice %arg13[%mul3A_2, %dma_wait3A_43] : memref<10240x8xf32, #tpu.memory_space<vmem_shared>> -> memref<128x8xf32, #tpu.memory_space<vmem_shared>>
    tpu.wait_dma2 semaphore(%arg14 : memref<!tpu.dma_semaphore, #tpu.memory_space<semaphore_mem>>) src(%arg5 : memref<128x8xf32, #tpu.memory_space<hbm>>) dst(%dma_wait3A_44 : memref<128x8xf32, #tpu.memory_space<vmem_shared>>)
    %dma_wait3A_45 = arith.constant 0 : i32
    %dma_wait3A_46 = tpu.memref_slice %arg13[%mul3A_2, %dma_wait3A_45] : memref<10240x8xf32, #tpu.memory_space<vmem_shared>> -> memref<128x8xf32, #tpu.memory_space<vmem_shared>>
    tpu.wait_dma2 semaphore(%arg14 : memref<!tpu.dma_semaphore, #tpu.memory_space<semaphore_mem>>) src(%arg5 : memref<128x8xf32, #tpu.memory_space<hbm>>) dst(%dma_wait3A_46 : memref<128x8xf32, #tpu.memory_space<vmem_shared>>)
    %dma_wait3A_47 = arith.constant 0 : i32
    %dma_wait3A_48 = tpu.memref_slice %arg13[%mul3A_2, %dma_wait3A_47] : memref<10240x8xf32, #tpu.memory_space<vmem_shared>> -> memref<128x8xf32, #tpu.memory_space<vmem_shared>>
    tpu.wait_dma2 semaphore(%arg14 : memref<!tpu.dma_semaphore, #tpu.memory_space<semaphore_mem>>) src(%arg5 : memref<128x8xf32, #tpu.memory_space<hbm>>) dst(%dma_wait3A_48 : memref<128x8xf32, #tpu.memory_space<vmem_shared>>)
    %dma_wait3A_49 = arith.constant 0 : i32
    %dma_wait3A_50 = tpu.memref_slice %arg13[%mul3A_2, %dma_wait3A_49] : memref<10240x8xf32, #tpu.memory_space<vmem_shared>> -> memref<128x8xf32, #tpu.memory_space<vmem_shared>>
    tpu.wait_dma2 semaphore(%arg14 : memref<!tpu.dma_semaphore, #tpu.memory_space<semaphore_mem>>) src(%arg5 : memref<128x8xf32, #tpu.memory_space<hbm>>) dst(%dma_wait3A_50 : memref<128x8xf32, #tpu.memory_space<vmem_shared>>)
    %dma_wait3A_51 = arith.constant 0 : i32
    %dma_wait3A_52 = tpu.memref_slice %arg23[%mul3A_2, %dma_wait3A_51] : memref<10240x8xf32, #tpu.memory_space<vmem_shared>> -> memref<640x8xf32, #tpu.memory_space<vmem_shared>>
    %dma_wait3A_53 = arith.constant 0 : i32
    %dma_wait3A_54 = tpu.memref_slice %arg4[%mul3A_2, %dma_wait3A_53] : memref<10240x8xf32, #tpu.memory_space<hbm>> -> memref<640x8xf32, #tpu.memory_space<hbm>>
    tpu.wait_dma2 semaphore(%arg24 : memref<!tpu.dma_semaphore, #tpu.memory_space<semaphore_mem>>) src(%dma_wait3A_54 : memref<640x8xf32, #tpu.memory_space<hbm>>) dst(%dma_wait3A_52 : memref<640x8xf32, #tpu.memory_space<vmem_shared>>)
    %dma_wait3A_55 = arith.constant 0 : i32
    %dma_wait3A_56 = arith.constant 0 : i32
    %dma_wait3A_57 = tpu.memref_slice %arg2[%add3A, %dma_wait3A_55, %dma_wait3A_56] : memref<32x80x128xi32, #tpu.memory_space<hbm>> -> memref<1x80x128xi32, #tpu.memory_space<hbm>>
    %dma_wait3A_58 = tpu.memref_squeeze %dma_wait3A_57 : memref<1x80x128xi32, #tpu.memory_space<hbm>> -> memref<80x128xi32, #tpu.memory_space<hbm>>
    %dma_wait3A_59 = arith.constant 0 : i32
    %dma_wait3A_60 = arith.constant 0 : i32
    %dma_wait3A_61 = tpu.memref_slice %arg2[%add3A, %dma_wait3A_59, %dma_wait3A_60] : memref<32x80x128xi32, #tpu.memory_space<hbm>> -> memref<1x80x128xi32, #tpu.memory_space<hbm>>
    %dma_wait3A_62 = tpu.memref_squeeze %dma_wait3A_61 : memref<1x80x128xi32, #tpu.memory_space<hbm>> -> memref<80x128xi32, #tpu.memory_space<hbm>>
    tpu.wait_dma2 semaphore(%arg15 : memref<!tpu.dma_semaphore, #tpu.memory_space<semaphore_mem>>) src(%dma_wait3A_62 : memref<80x128xi32, #tpu.memory_space<hbm>>) dst(%arg7 : memref<80x128xi32, #tpu.memory_space<vmem>>)
    %dma_wait3A_63 = arith.constant 0 : i32
    %dma_wait3A_64 = arith.constant 0 : i32
    %dma_wait3A_65 = tpu.memref_slice %arg3[%add3A, %dma_wait3A_63, %dma_wait3A_64] : memref<32x80x128xi32, #tpu.memory_space<hbm>> -> memref<1x80x128xi32, #tpu.memory_space<hbm>>
    %dma_wait3A_66 = tpu.memref_squeeze %dma_wait3A_65 : memref<1x80x128xi32, #tpu.memory_space<hbm>> -> memref<80x128xi32, #tpu.memory_space<hbm>>
    %dma_wait3A_67 = arith.constant 0 : i32
    %dma_wait3A_68 = arith.constant 0 : i32
    %dma_wait3A_69 = tpu.memref_slice %arg3[%add3A, %dma_wait3A_67, %dma_wait3A_68] : memref<32x80x128xi32, #tpu.memory_space<hbm>> -> memref<1x80x128xi32, #tpu.memory_space<hbm>>
    %dma_wait3A_70 = tpu.memref_squeeze %dma_wait3A_69 : memref<1x80x128xi32, #tpu.memory_space<hbm>> -> memref<80x128xi32, #tpu.memory_space<hbm>>
    tpu.wait_dma2 semaphore(%arg16 : memref<!tpu.dma_semaphore, #tpu.memory_space<semaphore_mem>>) src(%dma_wait3A_70 : memref<80x128xi32, #tpu.memory_space<hbm>>) dst(%arg8 : memref<80x128xi32, #tpu.memory_space<vmem>>)
    %barrier3A = arith.constant 0 : index
    tpu.barrier barrier_id(%barrier3A)
    %dma_start3A_71 = arith.constant 0 : i32
    %dma_start3A_72 = arith.constant 0 : i32
    %dma_start3A_73 = tpu.memref_slice %arg7[%dma_start3A_71, %dma_start3A_72] : memref<80x128xi32, #tpu.memory_space<vmem>> -> memref<1x128xi32, #tpu.memory_space<vmem>>
    %dma_start3A_74 = tpu.memref_squeeze %dma_start3A_73 : memref<1x128xi32, #tpu.memory_space<vmem>> -> memref<128xi32, #tpu.memory_space<vmem>>
    %dma_start3A_75 = arith.constant 0 : i32
    %dma_start3A_76 = arith.constant 0 : i32
    %dma_start3A_77 = tpu.memref_slice %arg23[%dma_start3A_75, %dma_start3A_76] : memref<10240x8xf32, #tpu.memory_space<vmem_shared>> -> memref<10240x8xf32, #tpu.memory_space<vmem_shared>>
    tpu.enqueue_indirect_dma source(%dma_start3A_77 : memref<10240x8xf32, #tpu.memory_space<vmem_shared>>) target(%arg9 : memref<128x8xf32, #tpu.memory_space<vmem>>) offsets(%dma_start3A_74 : memref<128xi32, #tpu.memory_space<vmem>>) semaphore(%arg15 : memref<!tpu.dma_semaphore, #tpu.memory_space<semaphore_mem>>)
    %dma_start3A_78 = arith.constant 1 : i32
    %dma_start3A_79 = arith.constant 0 : i32
    %dma_start3A_80 = tpu.memref_slice %arg7[%dma_start3A_78, %dma_start3A_79] : memref<80x128xi32, #tpu.memory_space<vmem>> -> memref<1x128xi32, #tpu.memory_space<vmem>>
    %dma_start3A_81 = tpu.memref_squeeze %dma_start3A_80 : memref<1x128xi32, #tpu.memory_space<vmem>> -> memref<128xi32, #tpu.memory_space<vmem>>
    %dma_start3A_82 = arith.constant 0 : i32
    %dma_start3A_83 = arith.constant 0 : i32
    %dma_start3A_84 = tpu.memref_slice %arg23[%dma_start3A_82, %dma_start3A_83] : memref<10240x8xf32, #tpu.memory_space<vmem_shared>> -> memref<10240x8xf32, #tpu.memory_space<vmem_shared>>
    tpu.enqueue_indirect_dma source(%dma_start3A_84 : memref<10240x8xf32, #tpu.memory_space<vmem_shared>>) target(%arg10 : memref<128x8xf32, #tpu.memory_space<vmem>>) offsets(%dma_start3A_81 : memref<128xi32, #tpu.memory_space<vmem>>) semaphore(%arg16 : memref<!tpu.dma_semaphore, #tpu.memory_space<semaphore_mem>>)
    %dma_start3A_85 = arith.constant 2 : i32
    %dma_start3A_86 = arith.constant 0 : i32
    %dma_start3A_87 = tpu.memref_slice %arg7[%dma_start3A_85, %dma_start3A_86] : memref<80x128xi32, #tpu.memory_space<vmem>> -> memref<1x128xi32, #tpu.memory_space<vmem>>
    %dma_start3A_88 = tpu.memref_squeeze %dma_start3A_87 : memref<1x128xi32, #tpu.memory_space<vmem>> -> memref<128xi32, #tpu.memory_space<vmem>>
    %dma_start3A_89 = arith.constant 0 : i32
    %dma_start3A_90 = arith.constant 0 : i32
    %dma_start3A_91 = tpu.memref_slice %arg23[%dma_start3A_89, %dma_start3A_90] : memref<10240x8xf32, #tpu.memory_space<vmem_shared>> -> memref<10240x8xf32, #tpu.memory_space<vmem_shared>>
    tpu.enqueue_indirect_dma source(%dma_start3A_91 : memref<10240x8xf32, #tpu.memory_space<vmem_shared>>) target(%arg11 : memref<128x8xf32, #tpu.memory_space<vmem>>) offsets(%dma_start3A_88 : memref<128xi32, #tpu.memory_space<vmem>>) semaphore(%arg17 : memref<!tpu.dma_semaphore, #tpu.memory_space<semaphore_mem>>)
    %dma_start3A_92 = arith.constant 3 : i32
    %dma_start3A_93 = arith.constant 0 : i32
    %dma_start3A_94 = tpu.memref_slice %arg7[%dma_start3A_92, %dma_start3A_93] : memref<80x128xi32, #tpu.memory_space<vmem>> -> memref<1x128xi32, #tpu.memory_space<vmem>>
    %dma_start3A_95 = tpu.memref_squeeze %dma_start3A_94 : memref<1x128xi32, #tpu.memory_space<vmem>> -> memref<128xi32, #tpu.memory_space<vmem>>
    %dma_start3A_96 = arith.constant 0 : i32
    %dma_start3A_97 = arith.constant 0 : i32
    %dma_start3A_98 = tpu.memref_slice %arg23[%dma_start3A_96, %dma_start3A_97] : memref<10240x8xf32, #tpu.memory_space<vmem_shared>> -> memref<10240x8xf32, #tpu.memory_space<vmem_shared>>
    tpu.enqueue_indirect_dma source(%dma_start3A_98 : memref<10240x8xf32, #tpu.memory_space<vmem_shared>>) target(%arg12 : memref<128x8xf32, #tpu.memory_space<vmem>>) offsets(%dma_start3A_95 : memref<128xi32, #tpu.memory_space<vmem>>) semaphore(%arg18 : memref<!tpu.dma_semaphore, #tpu.memory_space<semaphore_mem>>)
    %scan3A = arith.constant 0 : i32
    %scan3A_99 = arith.constant 0 : i32
    %scan3A_100 = arith.constant 19 : i32
    %scan3A_101 = arith.addi %scan3A_99, %scan3A_100 : i32
    %scan3A_102 = arith.constant 1 : i32
    scf.for %scan3A_189 = %scan3A_99 to %scan3A_101 step %scan3A_102  : i32 {
      %mul3A_190 = arith.constant 4 : i32
      %mul3A_191 = arith.muli %mul3A_190, %scan3A_189 : i32
      %dma_wait3A_192 = arith.constant 0 : i32
      %dma_wait3A_193 = arith.constant 0 : i32
      %dma_wait3A_194 = tpu.memref_slice %arg7[%dma_wait3A_192, %dma_wait3A_193] : memref<80x128xi32, #tpu.memory_space<vmem>> -> memref<1x128xi32, #tpu.memory_space<vmem>>
      %dma_wait3A_195 = tpu.memref_squeeze %dma_wait3A_194 : memref<1x128xi32, #tpu.memory_space<vmem>> -> memref<128xi32, #tpu.memory_space<vmem>>
      %dma_wait3A_196 = arith.constant 0 : i32
      %dma_wait3A_197 = arith.constant 0 : i32
      %dma_wait3A_198 = tpu.memref_slice %arg23[%dma_wait3A_196, %dma_wait3A_197] : memref<10240x8xf32, #tpu.memory_space<vmem_shared>> -> memref<10240x8xf32, #tpu.memory_space<vmem_shared>>
      tpu.wait_indirect_dma semaphore(%arg15 : memref<!tpu.dma_semaphore, #tpu.memory_space<semaphore_mem>>) src(%dma_wait3A_198 : memref<10240x8xf32, #tpu.memory_space<vmem_shared>>) dst(%arg9 : memref<128x8xf32, #tpu.memory_space<vmem>>)
      %add3A_199 = arith.constant 0 : i32
      %add3A_200 = arith.addi %mul3A_191, %add3A_199 : i32
      %dma_start3A_201 = arith.constant 0 : i32
      %dma_start3A_202 = tpu.memref_slice %arg8[%add3A_200, %dma_start3A_201] : memref<80x128xi32, #tpu.memory_space<vmem>> -> memref<1x128xi32, #tpu.memory_space<vmem>>
      %dma_start3A_203 = tpu.memref_squeeze %dma_start3A_202 : memref<1x128xi32, #tpu.memory_space<vmem>> -> memref<128xi32, #tpu.memory_space<vmem>>
      %dma_start3A_204 = arith.constant 0 : i32
      %dma_start3A_205 = arith.constant 0 : i32
      %dma_start3A_206 = tpu.memref_slice %arg13[%dma_start3A_204, %dma_start3A_205] : memref<10240x8xf32, #tpu.memory_space<vmem_shared>> -> memref<10240x8xf32, #tpu.memory_space<vmem_shared>>
      tpu.enqueue_indirect_dma source(%arg9 : memref<128x8xf32, #tpu.memory_space<vmem>>) target(%dma_start3A_206 : memref<10240x8xf32, #tpu.memory_space<vmem_shared>>) offsets(%dma_start3A_203 : memref<128xi32, #tpu.memory_space<vmem>>) semaphore(%arg19 : memref<!tpu.dma_semaphore, #tpu.memory_space<semaphore_mem>>) {add = true}
      %dma_wait3A_207 = arith.constant 0 : i32
      %dma_wait3A_208 = arith.constant 0 : i32
      %dma_wait3A_209 = tpu.memref_slice %arg7[%dma_wait3A_207, %dma_wait3A_208] : memref<80x128xi32, #tpu.memory_space<vmem>> -> memref<1x128xi32, #tpu.memory_space<vmem>>
      %dma_wait3A_210 = tpu.memref_squeeze %dma_wait3A_209 : memref<1x128xi32, #tpu.memory_space<vmem>> -> memref<128xi32, #tpu.memory_space<vmem>>
      %dma_wait3A_211 = arith.constant 0 : i32
      %dma_wait3A_212 = arith.constant 0 : i32
      %dma_wait3A_213 = tpu.memref_slice %arg23[%dma_wait3A_211, %dma_wait3A_212] : memref<10240x8xf32, #tpu.memory_space<vmem_shared>> -> memref<10240x8xf32, #tpu.memory_space<vmem_shared>>
      tpu.wait_indirect_dma semaphore(%arg16 : memref<!tpu.dma_semaphore, #tpu.memory_space<semaphore_mem>>) src(%dma_wait3A_213 : memref<10240x8xf32, #tpu.memory_space<vmem_shared>>) dst(%arg10 : memref<128x8xf32, #tpu.memory_space<vmem>>)
      %add3A_214 = arith.constant 1 : i32
      %add3A_215 = arith.addi %mul3A_191, %add3A_214 : i32
      %dma_start3A_216 = arith.constant 0 : i32
      %dma_start3A_217 = tpu.memref_slice %arg8[%add3A_215, %dma_start3A_216] : memref<80x128xi32, #tpu.memory_space<vmem>> -> memref<1x128xi32, #tpu.memory_space<vmem>>
      %dma_start3A_218 = tpu.memref_squeeze %dma_start3A_217 : memref<1x128xi32, #tpu.memory_space<vmem>> -> memref<128xi32, #tpu.memory_space<vmem>>
      %dma_start3A_219 = arith.constant 0 : i32
      %dma_start3A_220 = arith.constant 0 : i32
      %dma_start3A_221 = tpu.memref_slice %arg13[%dma_start3A_219, %dma_start3A_220] : memref<10240x8xf32, #tpu.memory_space<vmem_shared>> -> memref<10240x8xf32, #tpu.memory_space<vmem_shared>>
      tpu.enqueue_indirect_dma source(%arg10 : memref<128x8xf32, #tpu.memory_space<vmem>>) target(%dma_start3A_221 : memref<10240x8xf32, #tpu.memory_space<vmem_shared>>) offsets(%dma_start3A_218 : memref<128xi32, #tpu.memory_space<vmem>>) semaphore(%arg20 : memref<!tpu.dma_semaphore, #tpu.memory_space<semaphore_mem>>) {add = true}
      %dma_wait3A_222 = arith.constant 0 : i32
      %dma_wait3A_223 = arith.constant 0 : i32
      %dma_wait3A_224 = tpu.memref_slice %arg7[%dma_wait3A_222, %dma_wait3A_223] : memref<80x128xi32, #tpu.memory_space<vmem>> -> memref<1x128xi32, #tpu.memory_space<vmem>>
      %dma_wait3A_225 = tpu.memref_squeeze %dma_wait3A_224 : memref<1x128xi32, #tpu.memory_space<vmem>> -> memref<128xi32, #tpu.memory_space<vmem>>
      %dma_wait3A_226 = arith.constant 0 : i32
      %dma_wait3A_227 = arith.constant 0 : i32
      %dma_wait3A_228 = tpu.memref_slice %arg23[%dma_wait3A_226, %dma_wait3A_227] : memref<10240x8xf32, #tpu.memory_space<vmem_shared>> -> memref<10240x8xf32, #tpu.memory_space<vmem_shared>>
      tpu.wait_indirect_dma semaphore(%arg17 : memref<!tpu.dma_semaphore, #tpu.memory_space<semaphore_mem>>) src(%dma_wait3A_228 : memref<10240x8xf32, #tpu.memory_space<vmem_shared>>) dst(%arg11 : memref<128x8xf32, #tpu.memory_space<vmem>>)
      %add3A_229 = arith.constant 2 : i32
      %add3A_230 = arith.addi %mul3A_191, %add3A_229 : i32
      %dma_start3A_231 = arith.constant 0 : i32
      %dma_start3A_232 = tpu.memref_slice %arg8[%add3A_230, %dma_start3A_231] : memref<80x128xi32, #tpu.memory_space<vmem>> -> memref<1x128xi32, #tpu.memory_space<vmem>>
      %dma_start3A_233 = tpu.memref_squeeze %dma_start3A_232 : memref<1x128xi32, #tpu.memory_space<vmem>> -> memref<128xi32, #tpu.memory_space<vmem>>
      %dma_start3A_234 = arith.constant 0 : i32
      %dma_start3A_235 = arith.constant 0 : i32
      %dma_start3A_236 = tpu.memref_slice %arg13[%dma_start3A_234, %dma_start3A_235] : memref<10240x8xf32, #tpu.memory_space<vmem_shared>> -> memref<10240x8xf32, #tpu.memory_space<vmem_shared>>
      tpu.enqueue_indirect_dma source(%arg11 : memref<128x8xf32, #tpu.memory_space<vmem>>) target(%dma_start3A_236 : memref<10240x8xf32, #tpu.memory_space<vmem_shared>>) offsets(%dma_start3A_233 : memref<128xi32, #tpu.memory_space<vmem>>) semaphore(%arg21 : memref<!tpu.dma_semaphore, #tpu.memory_space<semaphore_mem>>) {add = true}
      %dma_wait3A_237 = arith.constant 0 : i32
      %dma_wait3A_238 = arith.constant 0 : i32
      %dma_wait3A_239 = tpu.memref_slice %arg7[%dma_wait3A_237, %dma_wait3A_238] : memref<80x128xi32, #tpu.memory_space<vmem>> -> memref<1x128xi32, #tpu.memory_space<vmem>>
      %dma_wait3A_240 = tpu.memref_squeeze %dma_wait3A_239 : memref<1x128xi32, #tpu.memory_space<vmem>> -> memref<128xi32, #tpu.memory_space<vmem>>
      %dma_wait3A_241 = arith.constant 0 : i32
      %dma_wait3A_242 = arith.constant 0 : i32
      %dma_wait3A_243 = tpu.memref_slice %arg23[%dma_wait3A_241, %dma_wait3A_242] : memref<10240x8xf32, #tpu.memory_space<vmem_shared>> -> memref<10240x8xf32, #tpu.memory_space<vmem_shared>>
      tpu.wait_indirect_dma semaphore(%arg18 : memref<!tpu.dma_semaphore, #tpu.memory_space<semaphore_mem>>) src(%dma_wait3A_243 : memref<10240x8xf32, #tpu.memory_space<vmem_shared>>) dst(%arg12 : memref<128x8xf32, #tpu.memory_space<vmem>>)
      %add3A_244 = arith.constant 3 : i32
      %add3A_245 = arith.addi %mul3A_191, %add3A_244 : i32
      %dma_start3A_246 = arith.constant 0 : i32
      %dma_start3A_247 = tpu.memref_slice %arg8[%add3A_245, %dma_start3A_246] : memref<80x128xi32, #tpu.memory_space<vmem>> -> memref<1x128xi32, #tpu.memory_space<vmem>>
      %dma_start3A_248 = tpu.memref_squeeze %dma_start3A_247 : memref<1x128xi32, #tpu.memory_space<vmem>> -> memref<128xi32, #tpu.memory_space<vmem>>
      %dma_start3A_249 = arith.constant 0 : i32
      %dma_start3A_250 = arith.constant 0 : i32
      %dma_start3A_251 = tpu.memref_slice %arg13[%dma_start3A_249, %dma_start3A_250] : memref<10240x8xf32, #tpu.memory_space<vmem_shared>> -> memref<10240x8xf32, #tpu.memory_space<vmem_shared>>
      tpu.enqueue_indirect_dma source(%arg12 : memref<128x8xf32, #tpu.memory_space<vmem>>) target(%dma_start3A_251 : memref<10240x8xf32, #tpu.memory_space<vmem_shared>>) offsets(%dma_start3A_248 : memref<128xi32, #tpu.memory_space<vmem>>) semaphore(%arg22 : memref<!tpu.dma_semaphore, #tpu.memory_space<semaphore_mem>>) {add = true}
      %dma_wait3A_252 = arith.constant 0 : i32
      %dma_wait3A_253 = arith.constant 0 : i32
      %dma_wait3A_254 = tpu.memref_slice %arg8[%dma_wait3A_252, %dma_wait3A_253] : memref<80x128xi32, #tpu.memory_space<vmem>> -> memref<1x128xi32, #tpu.memory_space<vmem>>
      %dma_wait3A_255 = tpu.memref_squeeze %dma_wait3A_254 : memref<1x128xi32, #tpu.memory_space<vmem>> -> memref<128xi32, #tpu.memory_space<vmem>>
      %dma_wait3A_256 = arith.constant 0 : i32
      %dma_wait3A_257 = arith.constant 0 : i32
      %dma_wait3A_258 = tpu.memref_slice %arg13[%dma_wait3A_256, %dma_wait3A_257] : memref<10240x8xf32, #tpu.memory_space<vmem_shared>> -> memref<10240x8xf32, #tpu.memory_space<vmem_shared>>
      tpu.wait_indirect_dma semaphore(%arg19 : memref<!tpu.dma_semaphore, #tpu.memory_space<semaphore_mem>>) src(%arg9 : memref<128x8xf32, #tpu.memory_space<vmem>>) dst(%dma_wait3A_258 : memref<10240x8xf32, #tpu.memory_space<vmem_shared>>)
      %add3A_259 = arith.constant 4 : i32
      %add3A_260 = arith.addi %mul3A_191, %add3A_259 : i32
      %add3A_261 = arith.constant 0 : i32
      %add3A_262 = arith.addi %add3A_260, %add3A_261 : i32
      %dma_start3A_263 = arith.constant 0 : i32
      %dma_start3A_264 = tpu.memref_slice %arg7[%add3A_262, %dma_start3A_263] : memref<80x128xi32, #tpu.memory_space<vmem>> -> memref<1x128xi32, #tpu.memory_space<vmem>>
      %dma_start3A_265 = tpu.memref_squeeze %dma_start3A_264 : memref<1x128xi32, #tpu.memory_space<vmem>> -> memref<128xi32, #tpu.memory_space<vmem>>
      %dma_start3A_266 = arith.constant 0 : i32
      %dma_start3A_267 = arith.constant 0 : i32
      %dma_start3A_268 = tpu.memref_slice %arg23[%dma_start3A_266, %dma_start3A_267] : memref<10240x8xf32, #tpu.memory_space<vmem_shared>> -> memref<10240x8xf32, #tpu.memory_space<vmem_shared>>
      tpu.enqueue_indirect_dma source(%dma_start3A_268 : memref<10240x8xf32, #tpu.memory_space<vmem_shared>>) target(%arg9 : memref<128x8xf32, #tpu.memory_space<vmem>>) offsets(%dma_start3A_265 : memref<128xi32, #tpu.memory_space<vmem>>) semaphore(%arg15 : memref<!tpu.dma_semaphore, #tpu.memory_space<semaphore_mem>>)
      %dma_wait3A_269 = arith.constant 0 : i32
      %dma_wait3A_270 = arith.constant 0 : i32
      %dma_wait3A_271 = tpu.memref_slice %arg8[%dma_wait3A_269, %dma_wait3A_270] : memref<80x128xi32, #tpu.memory_space<vmem>> -> memref<1x128xi32, #tpu.memory_space<vmem>>
      %dma_wait3A_272 = tpu.memref_squeeze %dma_wait3A_271 : memref<1x128xi32, #tpu.memory_space<vmem>> -> memref<128xi32, #tpu.memory_space<vmem>>
      %dma_wait3A_273 = arith.constant 0 : i32
      %dma_wait3A_274 = arith.constant 0 : i32
      %dma_wait3A_275 = tpu.memref_slice %arg13[%dma_wait3A_273, %dma_wait3A_274] : memref<10240x8xf32, #tpu.memory_space<vmem_shared>> -> memref<10240x8xf32, #tpu.memory_space<vmem_shared>>
      tpu.wait_indirect_dma semaphore(%arg20 : memref<!tpu.dma_semaphore, #tpu.memory_space<semaphore_mem>>) src(%arg10 : memref<128x8xf32, #tpu.memory_space<vmem>>) dst(%dma_wait3A_275 : memref<10240x8xf32, #tpu.memory_space<vmem_shared>>)
      %add3A_276 = arith.constant 4 : i32
      %add3A_277 = arith.addi %mul3A_191, %add3A_276 : i32
      %add3A_278 = arith.constant 1 : i32
      %add3A_279 = arith.addi %add3A_277, %add3A_278 : i32
      %dma_start3A_280 = arith.constant 0 : i32
      %dma_start3A_281 = tpu.memref_slice %arg7[%add3A_279, %dma_start3A_280] : memref<80x128xi32, #tpu.memory_space<vmem>> -> memref<1x128xi32, #tpu.memory_space<vmem>>
      %dma_start3A_282 = tpu.memref_squeeze %dma_start3A_281 : memref<1x128xi32, #tpu.memory_space<vmem>> -> memref<128xi32, #tpu.memory_space<vmem>>
      %dma_start3A_283 = arith.constant 0 : i32
      %dma_start3A_284 = arith.constant 0 : i32
      %dma_start3A_285 = tpu.memref_slice %arg23[%dma_start3A_283, %dma_start3A_284] : memref<10240x8xf32, #tpu.memory_space<vmem_shared>> -> memref<10240x8xf32, #tpu.memory_space<vmem_shared>>
      tpu.enqueue_indirect_dma source(%dma_start3A_285 : memref<10240x8xf32, #tpu.memory_space<vmem_shared>>) target(%arg10 : memref<128x8xf32, #tpu.memory_space<vmem>>) offsets(%dma_start3A_282 : memref<128xi32, #tpu.memory_space<vmem>>) semaphore(%arg16 : memref<!tpu.dma_semaphore, #tpu.memory_space<semaphore_mem>>)
      %dma_wait3A_286 = arith.constant 0 : i32
      %dma_wait3A_287 = arith.constant 0 : i32
      %dma_wait3A_288 = tpu.memref_slice %arg8[%dma_wait3A_286, %dma_wait3A_287] : memref<80x128xi32, #tpu.memory_space<vmem>> -> memref<1x128xi32, #tpu.memory_space<vmem>>
      %dma_wait3A_289 = tpu.memref_squeeze %dma_wait3A_288 : memref<1x128xi32, #tpu.memory_space<vmem>> -> memref<128xi32, #tpu.memory_space<vmem>>
      %dma_wait3A_290 = arith.constant 0 : i32
      %dma_wait3A_291 = arith.constant 0 : i32
      %dma_wait3A_292 = tpu.memref_slice %arg13[%dma_wait3A_290, %dma_wait3A_291] : memref<10240x8xf32, #tpu.memory_space<vmem_shared>> -> memref<10240x8xf32, #tpu.memory_space<vmem_shared>>
      tpu.wait_indirect_dma semaphore(%arg21 : memref<!tpu.dma_semaphore, #tpu.memory_space<semaphore_mem>>) src(%arg11 : memref<128x8xf32, #tpu.memory_space<vmem>>) dst(%dma_wait3A_292 : memref<10240x8xf32, #tpu.memory_space<vmem_shared>>)
      %add3A_293 = arith.constant 4 : i32
      %add3A_294 = arith.addi %mul3A_191, %add3A_293 : i32
      %add3A_295 = arith.constant 2 : i32
      %add3A_296 = arith.addi %add3A_294, %add3A_295 : i32
      %dma_start3A_297 = arith.constant 0 : i32
      %dma_start3A_298 = tpu.memref_slice %arg7[%add3A_296, %dma_start3A_297] : memref<80x128xi32, #tpu.memory_space<vmem>> -> memref<1x128xi32, #tpu.memory_space<vmem>>
      %dma_start3A_299 = tpu.memref_squeeze %dma_start3A_298 : memref<1x128xi32, #tpu.memory_space<vmem>> -> memref<128xi32, #tpu.memory_space<vmem>>
      %dma_start3A_300 = arith.constant 0 : i32
      %dma_start3A_301 = arith.constant 0 : i32
      %dma_start3A_302 = tpu.memref_slice %arg23[%dma_start3A_300, %dma_start3A_301] : memref<10240x8xf32, #tpu.memory_space<vmem_shared>> -> memref<10240x8xf32, #tpu.memory_space<vmem_shared>>
      tpu.enqueue_indirect_dma source(%dma_start3A_302 : memref<10240x8xf32, #tpu.memory_space<vmem_shared>>) target(%arg11 : memref<128x8xf32, #tpu.memory_space<vmem>>) offsets(%dma_start3A_299 : memref<128xi32, #tpu.memory_space<vmem>>) semaphore(%arg17 : memref<!tpu.dma_semaphore, #tpu.memory_space<semaphore_mem>>)
      %dma_wait3A_303 = arith.constant 0 : i32
      %dma_wait3A_304 = arith.constant 0 : i32
      %dma_wait3A_305 = tpu.memref_slice %arg8[%dma_wait3A_303, %dma_wait3A_304] : memref<80x128xi32, #tpu.memory_space<vmem>> -> memref<1x128xi32, #tpu.memory_space<vmem>>
      %dma_wait3A_306 = tpu.memref_squeeze %dma_wait3A_305 : memref<1x128xi32, #tpu.memory_space<vmem>> -> memref<128xi32, #tpu.memory_space<vmem>>
      %dma_wait3A_307 = arith.constant 0 : i32
      %dma_wait3A_308 = arith.constant 0 : i32
      %dma_wait3A_309 = tpu.memref_slice %arg13[%dma_wait3A_307, %dma_wait3A_308] : memref<10240x8xf32, #tpu.memory_space<vmem_shared>> -> memref<10240x8xf32, #tpu.memory_space<vmem_shared>>
      tpu.wait_indirect_dma semaphore(%arg22 : memref<!tpu.dma_semaphore, #tpu.memory_space<semaphore_mem>>) src(%arg12 : memref<128x8xf32, #tpu.memory_space<vmem>>) dst(%dma_wait3A_309 : memref<10240x8xf32, #tpu.memory_space<vmem_shared>>)
      %add3A_310 = arith.constant 4 : i32
      %add3A_311 = arith.addi %mul3A_191, %add3A_310 : i32
      %add3A_312 = arith.constant 3 : i32
      %add3A_313 = arith.addi %add3A_311, %add3A_312 : i32
      %dma_start3A_314 = arith.constant 0 : i32
      %dma_start3A_315 = tpu.memref_slice %arg7[%add3A_313, %dma_start3A_314] : memref<80x128xi32, #tpu.memory_space<vmem>> -> memref<1x128xi32, #tpu.memory_space<vmem>>
      %dma_start3A_316 = tpu.memref_squeeze %dma_start3A_315 : memref<1x128xi32, #tpu.memory_space<vmem>> -> memref<128xi32, #tpu.memory_space<vmem>>
      %dma_start3A_317 = arith.constant 0 : i32
      %dma_start3A_318 = arith.constant 0 : i32
      %dma_start3A_319 = tpu.memref_slice %arg23[%dma_start3A_317, %dma_start3A_318] : memref<10240x8xf32, #tpu.memory_space<vmem_shared>> -> memref<10240x8xf32, #tpu.memory_space<vmem_shared>>
      tpu.enqueue_indirect_dma source(%dma_start3A_319 : memref<10240x8xf32, #tpu.memory_space<vmem_shared>>) target(%arg12 : memref<128x8xf32, #tpu.memory_space<vmem>>) offsets(%dma_start3A_316 : memref<128xi32, #tpu.memory_space<vmem>>) semaphore(%arg18 : memref<!tpu.dma_semaphore, #tpu.memory_space<semaphore_mem>>)
    }
    %scan3A_103 = arith.constant 19 : i32
    %dma_wait3A_104 = arith.constant 0 : i32
    %dma_wait3A_105 = arith.constant 0 : i32
    %dma_wait3A_106 = tpu.memref_slice %arg7[%dma_wait3A_104, %dma_wait3A_105] : memref<80x128xi32, #tpu.memory_space<vmem>> -> memref<1x128xi32, #tpu.memory_space<vmem>>
    %dma_wait3A_107 = tpu.memref_squeeze %dma_wait3A_106 : memref<1x128xi32, #tpu.memory_space<vmem>> -> memref<128xi32, #tpu.memory_space<vmem>>
    %dma_wait3A_108 = arith.constant 0 : i32
    %dma_wait3A_109 = arith.constant 0 : i32
    %dma_wait3A_110 = tpu.memref_slice %arg23[%dma_wait3A_108, %dma_wait3A_109] : memref<10240x8xf32, #tpu.memory_space<vmem_shared>> -> memref<10240x8xf32, #tpu.memory_space<vmem_shared>>
    tpu.wait_indirect_dma semaphore(%arg15 : memref<!tpu.dma_semaphore, #tpu.memory_space<semaphore_mem>>) src(%dma_wait3A_110 : memref<10240x8xf32, #tpu.memory_space<vmem_shared>>) dst(%arg9 : memref<128x8xf32, #tpu.memory_space<vmem>>)
    %dma_start3A_111 = arith.constant 76 : i32
    %dma_start3A_112 = arith.constant 0 : i32
    %dma_start3A_113 = tpu.memref_slice %arg8[%dma_start3A_111, %dma_start3A_112] : memref<80x128xi32, #tpu.memory_space<vmem>> -> memref<1x128xi32, #tpu.memory_space<vmem>>
    %dma_start3A_114 = tpu.memref_squeeze %dma_start3A_113 : memref<1x128xi32, #tpu.memory_space<vmem>> -> memref<128xi32, #tpu.memory_space<vmem>>
    %dma_start3A_115 = arith.constant 0 : i32
    %dma_start3A_116 = arith.constant 0 : i32
    %dma_start3A_117 = tpu.memref_slice %arg13[%dma_start3A_115, %dma_start3A_116] : memref<10240x8xf32, #tpu.memory_space<vmem_shared>> -> memref<10240x8xf32, #tpu.memory_space<vmem_shared>>
    tpu.enqueue_indirect_dma source(%arg9 : memref<128x8xf32, #tpu.memory_space<vmem>>) target(%dma_start3A_117 : memref<10240x8xf32, #tpu.memory_space<vmem_shared>>) offsets(%dma_start3A_114 : memref<128xi32, #tpu.memory_space<vmem>>) semaphore(%arg19 : memref<!tpu.dma_semaphore, #tpu.memory_space<semaphore_mem>>) {add = true}
    %dma_wait3A_118 = arith.constant 0 : i32
    %dma_wait3A_119 = arith.constant 0 : i32
    %dma_wait3A_120 = tpu.memref_slice %arg7[%dma_wait3A_118, %dma_wait3A_119] : memref<80x128xi32, #tpu.memory_space<vmem>> -> memref<1x128xi32, #tpu.memory_space<vmem>>
    %dma_wait3A_121 = tpu.memref_squeeze %dma_wait3A_120 : memref<1x128xi32, #tpu.memory_space<vmem>> -> memref<128xi32, #tpu.memory_space<vmem>>
    %dma_wait3A_122 = arith.constant 0 : i32
    %dma_wait3A_123 = arith.constant 0 : i32
    %dma_wait3A_124 = tpu.memref_slice %arg23[%dma_wait3A_122, %dma_wait3A_123] : memref<10240x8xf32, #tpu.memory_space<vmem_shared>> -> memref<10240x8xf32, #tpu.memory_space<vmem_shared>>
    tpu.wait_indirect_dma semaphore(%arg16 : memref<!tpu.dma_semaphore, #tpu.memory_space<semaphore_mem>>) src(%dma_wait3A_124 : memref<10240x8xf32, #tpu.memory_space<vmem_shared>>) dst(%arg10 : memref<128x8xf32, #tpu.memory_space<vmem>>)
    %dma_start3A_125 = arith.constant 77 : i32
    %dma_start3A_126 = arith.constant 0 : i32
    %dma_start3A_127 = tpu.memref_slice %arg8[%dma_start3A_125, %dma_start3A_126] : memref<80x128xi32, #tpu.memory_space<vmem>> -> memref<1x128xi32, #tpu.memory_space<vmem>>
    %dma_start3A_128 = tpu.memref_squeeze %dma_start3A_127 : memref<1x128xi32, #tpu.memory_space<vmem>> -> memref<128xi32, #tpu.memory_space<vmem>>
    %dma_start3A_129 = arith.constant 0 : i32
    %dma_start3A_130 = arith.constant 0 : i32
    %dma_start3A_131 = tpu.memref_slice %arg13[%dma_start3A_129, %dma_start3A_130] : memref<10240x8xf32, #tpu.memory_space<vmem_shared>> -> memref<10240x8xf32, #tpu.memory_space<vmem_shared>>
    tpu.enqueue_indirect_dma source(%arg10 : memref<128x8xf32, #tpu.memory_space<vmem>>) target(%dma_start3A_131 : memref<10240x8xf32, #tpu.memory_space<vmem_shared>>) offsets(%dma_start3A_128 : memref<128xi32, #tpu.memory_space<vmem>>) semaphore(%arg20 : memref<!tpu.dma_semaphore, #tpu.memory_space<semaphore_mem>>) {add = true}
    %dma_wait3A_132 = arith.constant 0 : i32
    %dma_wait3A_133 = arith.constant 0 : i32
    %dma_wait3A_134 = tpu.memref_slice %arg7[%dma_wait3A_132, %dma_wait3A_133] : memref<80x128xi32, #tpu.memory_space<vmem>> -> memref<1x128xi32, #tpu.memory_space<vmem>>
    %dma_wait3A_135 = tpu.memref_squeeze %dma_wait3A_134 : memref<1x128xi32, #tpu.memory_space<vmem>> -> memref<128xi32, #tpu.memory_space<vmem>>
    %dma_wait3A_136 = arith.constant 0 : i32
    %dma_wait3A_137 = arith.constant 0 : i32
    %dma_wait3A_138 = tpu.memref_slice %arg23[%dma_wait3A_136, %dma_wait3A_137] : memref<10240x8xf32, #tpu.memory_space<vmem_shared>> -> memref<10240x8xf32, #tpu.memory_space<vmem_shared>>
    tpu.wait_indirect_dma semaphore(%arg17 : memref<!tpu.dma_semaphore, #tpu.memory_space<semaphore_mem>>) src(%dma_wait3A_138 : memref<10240x8xf32, #tpu.memory_space<vmem_shared>>) dst(%arg11 : memref<128x8xf32, #tpu.memory_space<vmem>>)
    %dma_start3A_139 = arith.constant 78 : i32
    %dma_start3A_140 = arith.constant 0 : i32
    %dma_start3A_141 = tpu.memref_slice %arg8[%dma_start3A_139, %dma_start3A_140] : memref<80x128xi32, #tpu.memory_space<vmem>> -> memref<1x128xi32, #tpu.memory_space<vmem>>
    %dma_start3A_142 = tpu.memref_squeeze %dma_start3A_141 : memref<1x128xi32, #tpu.memory_space<vmem>> -> memref<128xi32, #tpu.memory_space<vmem>>
    %dma_start3A_143 = arith.constant 0 : i32
    %dma_start3A_144 = arith.constant 0 : i32
    %dma_start3A_145 = tpu.memref_slice %arg13[%dma_start3A_143, %dma_start3A_144] : memref<10240x8xf32, #tpu.memory_space<vmem_shared>> -> memref<10240x8xf32, #tpu.memory_space<vmem_shared>>
    tpu.enqueue_indirect_dma source(%arg11 : memref<128x8xf32, #tpu.memory_space<vmem>>) target(%dma_start3A_145 : memref<10240x8xf32, #tpu.memory_space<vmem_shared>>) offsets(%dma_start3A_142 : memref<128xi32, #tpu.memory_space<vmem>>) semaphore(%arg21 : memref<!tpu.dma_semaphore, #tpu.memory_space<semaphore_mem>>) {add = true}
    %dma_wait3A_146 = arith.constant 0 : i32
    %dma_wait3A_147 = arith.constant 0 : i32
    %dma_wait3A_148 = tpu.memref_slice %arg7[%dma_wait3A_146, %dma_wait3A_147] : memref<80x128xi32, #tpu.memory_space<vmem>> -> memref<1x128xi32, #tpu.memory_space<vmem>>
    %dma_wait3A_149 = tpu.memref_squeeze %dma_wait3A_148 : memref<1x128xi32, #tpu.memory_space<vmem>> -> memref<128xi32, #tpu.memory_space<vmem>>
    %dma_wait3A_150 = arith.constant 0 : i32
    %dma_wait3A_151 = arith.constant 0 : i32
    %dma_wait3A_152 = tpu.memref_slice %arg23[%dma_wait3A_150, %dma_wait3A_151] : memref<10240x8xf32, #tpu.memory_space<vmem_shared>> -> memref<10240x8xf32, #tpu.memory_space<vmem_shared>>
    tpu.wait_indirect_dma semaphore(%arg18 : memref<!tpu.dma_semaphore, #tpu.memory_space<semaphore_mem>>) src(%dma_wait3A_152 : memref<10240x8xf32, #tpu.memory_space<vmem_shared>>) dst(%arg12 : memref<128x8xf32, #tpu.memory_space<vmem>>)
    %dma_start3A_153 = arith.constant 79 : i32
    %dma_start3A_154 = arith.constant 0 : i32
    %dma_start3A_155 = tpu.memref_slice %arg8[%dma_start3A_153, %dma_start3A_154] : memref<80x128xi32, #tpu.memory_space<vmem>> -> memref<1x128xi32, #tpu.memory_space<vmem>>
    %dma_start3A_156 = tpu.memref_squeeze %dma_start3A_155 : memref<1x128xi32, #tpu.memory_space<vmem>> -> memref<128xi32, #tpu.memory_space<vmem>>
    %dma_start3A_157 = arith.constant 0 : i32
    %dma_start3A_158 = arith.constant 0 : i32
    %dma_start3A_159 = tpu.memref_slice %arg13[%dma_start3A_157, %dma_start3A_158] : memref<10240x8xf32, #tpu.memory_space<vmem_shared>> -> memref<10240x8xf32, #tpu.memory_space<vmem_shared>>
    tpu.enqueue_indirect_dma source(%arg12 : memref<128x8xf32, #tpu.memory_space<vmem>>) target(%dma_start3A_159 : memref<10240x8xf32, #tpu.memory_space<vmem_shared>>) offsets(%dma_start3A_156 : memref<128xi32, #tpu.memory_space<vmem>>) semaphore(%arg22 : memref<!tpu.dma_semaphore, #tpu.memory_space<semaphore_mem>>) {add = true}
    %dma_wait3A_160 = arith.constant 0 : i32
    %dma_wait3A_161 = arith.constant 0 : i32
    %dma_wait3A_162 = tpu.memref_slice %arg8[%dma_wait3A_160, %dma_wait3A_161] : memref<80x128xi32, #tpu.memory_space<vmem>> -> memref<1x128xi32, #tpu.memory_space<vmem>>
    %dma_wait3A_163 = tpu.memref_squeeze %dma_wait3A_162 : memref<1x128xi32, #tpu.memory_space<vmem>> -> memref<128xi32, #tpu.memory_space<vmem>>
    %dma_wait3A_164 = arith.constant 0 : i32
    %dma_wait3A_165 = arith.constant 0 : i32
    %dma_wait3A_166 = tpu.memref_slice %arg13[%dma_wait3A_164, %dma_wait3A_165] : memref<10240x8xf32, #tpu.memory_space<vmem_shared>> -> memref<10240x8xf32, #tpu.memory_space<vmem_shared>>
    tpu.wait_indirect_dma semaphore(%arg19 : memref<!tpu.dma_semaphore, #tpu.memory_space<semaphore_mem>>) src(%arg9 : memref<128x8xf32, #tpu.memory_space<vmem>>) dst(%dma_wait3A_166 : memref<10240x8xf32, #tpu.memory_space<vmem_shared>>)
    %dma_wait3A_167 = arith.constant 0 : i32
    %dma_wait3A_168 = arith.constant 0 : i32
    %dma_wait3A_169 = tpu.memref_slice %arg8[%dma_wait3A_167, %dma_wait3A_168] : memref<80x128xi32, #tpu.memory_space<vmem>> -> memref<1x128xi32, #tpu.memory_space<vmem>>
    %dma_wait3A_170 = tpu.memref_squeeze %dma_wait3A_169 : memref<1x128xi32, #tpu.memory_space<vmem>> -> memref<128xi32, #tpu.memory_space<vmem>>
    %dma_wait3A_171 = arith.constant 0 : i32
    %dma_wait3A_172 = arith.constant 0 : i32
    %dma_wait3A_173 = tpu.memref_slice %arg13[%dma_wait3A_171, %dma_wait3A_172] : memref<10240x8xf32, #tpu.memory_space<vmem_shared>> -> memref<10240x8xf32, #tpu.memory_space<vmem_shared>>
    tpu.wait_indirect_dma semaphore(%arg20 : memref<!tpu.dma_semaphore, #tpu.memory_space<semaphore_mem>>) src(%arg10 : memref<128x8xf32, #tpu.memory_space<vmem>>) dst(%dma_wait3A_173 : memref<10240x8xf32, #tpu.memory_space<vmem_shared>>)
    %dma_wait3A_174 = arith.constant 0 : i32
    %dma_wait3A_175 = arith.constant 0 : i32
    %dma_wait3A_176 = tpu.memref_slice %arg8[%dma_wait3A_174, %dma_wait3A_175] : memref<80x128xi32, #tpu.memory_space<vmem>> -> memref<1x128xi32, #tpu.memory_space<vmem>>
    %dma_wait3A_177 = tpu.memref_squeeze %dma_wait3A_176 : memref<1x128xi32, #tpu.memory_space<vmem>> -> memref<128xi32, #tpu.memory_space<vmem>>
    %dma_wait3A_178 = arith.constant 0 : i32
    %dma_wait3A_179 = arith.constant 0 : i32
    %dma_wait3A_180 = tpu.memref_slice %arg13[%dma_wait3A_178, %dma_wait3A_179] : memref<10240x8xf32, #tpu.memory_space<vmem_shared>> -> memref<10240x8xf32, #tpu.memory_space<vmem_shared>>
    tpu.wait_indirect_dma semaphore(%arg21 : memref<!tpu.dma_semaphore, #tpu.memory_space<semaphore_mem>>) src(%arg11 : memref<128x8xf32, #tpu.memory_space<vmem>>) dst(%dma_wait3A_180 : memref<10240x8xf32, #tpu.memory_space<vmem_shared>>)
    %dma_wait3A_181 = arith.constant 0 : i32
    %dma_wait3A_182 = arith.constant 0 : i32
    %dma_wait3A_183 = tpu.memref_slice %arg8[%dma_wait3A_181, %dma_wait3A_182] : memref<80x128xi32, #tpu.memory_space<vmem>> -> memref<1x128xi32, #tpu.memory_space<vmem>>
    %dma_wait3A_184 = tpu.memref_squeeze %dma_wait3A_183 : memref<1x128xi32, #tpu.memory_space<vmem>> -> memref<128xi32, #tpu.memory_space<vmem>>
    %dma_wait3A_185 = arith.constant 0 : i32
    %dma_wait3A_186 = arith.constant 0 : i32
    %dma_wait3A_187 = tpu.memref_slice %arg13[%dma_wait3A_185, %dma_wait3A_186] : memref<10240x8xf32, #tpu.memory_space<vmem_shared>> -> memref<10240x8xf32, #tpu.memory_space<vmem_shared>>
    tpu.wait_indirect_dma semaphore(%arg22 : memref<!tpu.dma_semaphore, #tpu.memory_space<semaphore_mem>>) src(%arg12 : memref<128x8xf32, #tpu.memory_space<vmem>>) dst(%dma_wait3A_187 : memref<10240x8xf32, #tpu.memory_space<vmem_shared>>)
    %barrier3A_188 = arith.constant 0 : index
    tpu.barrier barrier_id(%barrier3A_188)
    "tpu.region"() ({
      %run_scoped3A = tpu.sem_alloc : memref<!tpu.dma_semaphore, #tpu.memory_space<semaphore_mem>>
      %dma_start3A_189 = arith.constant 0 : i32
      %dma_start3A_190 = tpu.memref_slice %arg6[%arg0, %mul3A_2, %dma_start3A_189] : memref<2x10240x8xf32, #tpu.memory_space<hbm>> -> memref<1x640x8xf32, #tpu.memory_space<hbm>>
      %dma_start3A_191 = tpu.memref_squeeze %dma_start3A_190 : memref<1x640x8xf32, #tpu.memory_space<hbm>> -> memref<640x8xf32, #tpu.memory_space<hbm>>
      %dma_start3A_192 = arith.constant 0 : i32
      %dma_start3A_193 = tpu.memref_slice %arg13[%mul3A_2, %dma_start3A_192] : memref<10240x8xf32, #tpu.memory_space<vmem_shared>> -> memref<640x8xf32, #tpu.memory_space<vmem_shared>>
      tpu.enqueue_dma source(%dma_start3A_193 : memref<640x8xf32, #tpu.memory_space<vmem_shared>>) target(%dma_start3A_191 : memref<640x8xf32, #tpu.memory_space<hbm>>) target_semaphore(%run_scoped3A : memref<!tpu.dma_semaphore, #tpu.memory_space<semaphore_mem>>)
      %dma_wait3A_194 = arith.constant 0 : i32
      %dma_wait3A_195 = tpu.memref_slice %arg6[%arg0, %mul3A_2, %dma_wait3A_194] : memref<2x10240x8xf32, #tpu.memory_space<hbm>> -> memref<1x640x8xf32, #tpu.memory_space<hbm>>
      %dma_wait3A_196 = tpu.memref_squeeze %dma_wait3A_195 : memref<1x640x8xf32, #tpu.memory_space<hbm>> -> memref<640x8xf32, #tpu.memory_space<hbm>>
      %dma_wait3A_197 = arith.constant 0 : i32
      %dma_wait3A_198 = tpu.memref_slice %arg13[%mul3A_2, %dma_wait3A_197] : memref<10240x8xf32, #tpu.memory_space<vmem_shared>> -> memref<640x8xf32, #tpu.memory_space<vmem_shared>>
      tpu.wait_dma2 semaphore(%run_scoped3A : memref<!tpu.dma_semaphore, #tpu.memory_space<semaphore_mem>>) src(%dma_wait3A_198 : memref<640x8xf32, #tpu.memory_space<vmem_shared>>) dst(%dma_wait3A_196 : memref<640x8xf32, #tpu.memory_space<hbm>>)
      tpu.yield
    }) : () -> ()
    return
  }
}

#map = affine_map<(d0, d1) -> (0, 0, 0)>
#map1 = affine_map<(d0, d1) -> (0, 0)>
module attributes {stable_mosaic.version = 14 : i64} {
  func.func @_split_body(%arg0: i32, %arg1: i32, %arg2: memref<16x160x128xi32, #tpu.memory_space<hbm>>, %arg3: memref<16x160x128xi32, #tpu.memory_space<hbm>>, %arg4: memref<10240x32xf32, #tpu.memory_space<hbm>>, %arg5: memref<10240x32xf32, #tpu.memory_space<hbm>>, %arg6: memref<128x32xf32, #tpu.memory_space<hbm>>, %arg7: memref<10240x32xf32, #tpu.memory_space<hbm>>, %arg8: memref<10240x32xf32, #tpu.memory_space<hbm>>, %arg9: memref<160x128xi32, #tpu.memory_space<vmem>>, %arg10: memref<160x128xi32, #tpu.memory_space<vmem>>, %arg11: memref<128x32xf32, #tpu.memory_space<vmem>>, %arg12: memref<128x32xf32, #tpu.memory_space<vmem>>, %arg13: memref<128x32xf32, #tpu.memory_space<vmem>>, %arg14: memref<128x32xf32, #tpu.memory_space<vmem>>, %arg15: memref<10240x32xf32, #tpu.memory_space<vmem_shared>>, %arg16: memref<10240x32xf32, #tpu.memory_space<vmem_shared>>, %arg17: memref<!tpu.dma_semaphore, #tpu.memory_space<semaphore_mem>>, %arg18: memref<!tpu.dma_semaphore, #tpu.memory_space<semaphore_mem>>, %arg19: memref<!tpu.dma_semaphore, #tpu.memory_space<semaphore_mem>>, %arg20: memref<!tpu.dma_semaphore, #tpu.memory_space<semaphore_mem>>, %arg21: memref<!tpu.dma_semaphore, #tpu.memory_space<semaphore_mem>>, %arg22: memref<!tpu.dma_semaphore, #tpu.memory_space<semaphore_mem>>, %arg23: memref<!tpu.dma_semaphore, #tpu.memory_space<semaphore_mem>>, %arg24: memref<!tpu.dma_semaphore, #tpu.memory_space<semaphore_mem>>, %arg25: memref<!tpu.dma_semaphore, #tpu.memory_space<semaphore_mem>>, %arg26: memref<!tpu.dma_semaphore, #tpu.memory_space<semaphore_mem>>) attributes {dimension_semantics = [#tpu.dimension_semantics<core_parallel>, #tpu.dimension_semantics<subcore_parallel>], iteration_bounds = array<i64: 2, 16>, scalar_prefetch = 0 : i64, scratch_operands = 18 : i64, tpu.core_type = #tpu.core_type<sc_vector_subcore>, window_params = [{transform_indices = #map}, {transform_indices = #map}, {transform_indices = #map1}, {transform_indices = #map1}, {transform_indices = #map1}, {transform_indices = #map1}, {transform_indices = #map1}]} {
    %mul3A = arith.constant 640 : i32
    %mul3A_0 = arith.muli %arg1, %mul3A : i32
    %add3A = arith.constant 0 : i32
    %add3A_1 = arith.addi %mul3A_0, %add3A : i32
    %dma_start3A = arith.constant 0 : i32
    %dma_start3A_2 = tpu.memref_slice %arg15[%add3A_1, %dma_start3A] : memref<10240x32xf32, #tpu.memory_space<vmem_shared>> -> memref<128x32xf32, #tpu.memory_space<vmem_shared>>
    tpu.enqueue_dma source(%arg6 : memref<128x32xf32, #tpu.memory_space<hbm>>) target(%dma_start3A_2 : memref<128x32xf32, #tpu.memory_space<vmem_shared>>) target_semaphore(%arg17 : memref<!tpu.dma_semaphore, #tpu.memory_space<semaphore_mem>>)
    %add3A_3 = arith.constant 128 : i32
    %add3A_4 = arith.addi %mul3A_0, %add3A_3 : i32
    %dma_start3A_5 = arith.constant 0 : i32
    %dma_start3A_6 = tpu.memref_slice %arg15[%add3A_4, %dma_start3A_5] : memref<10240x32xf32, #tpu.memory_space<vmem_shared>> -> memref<128x32xf32, #tpu.memory_space<vmem_shared>>
    tpu.enqueue_dma source(%arg6 : memref<128x32xf32, #tpu.memory_space<hbm>>) target(%dma_start3A_6 : memref<128x32xf32, #tpu.memory_space<vmem_shared>>) target_semaphore(%arg17 : memref<!tpu.dma_semaphore, #tpu.memory_space<semaphore_mem>>)
    %add3A_7 = arith.constant 256 : i32
    %add3A_8 = arith.addi %mul3A_0, %add3A_7 : i32
    %dma_start3A_9 = arith.constant 0 : i32
    %dma_start3A_10 = tpu.memref_slice %arg15[%add3A_8, %dma_start3A_9] : memref<10240x32xf32, #tpu.memory_space<vmem_shared>> -> memref<128x32xf32, #tpu.memory_space<vmem_shared>>
    tpu.enqueue_dma source(%arg6 : memref<128x32xf32, #tpu.memory_space<hbm>>) target(%dma_start3A_10 : memref<128x32xf32, #tpu.memory_space<vmem_shared>>) target_semaphore(%arg17 : memref<!tpu.dma_semaphore, #tpu.memory_space<semaphore_mem>>)
    %add3A_11 = arith.constant 384 : i32
    %add3A_12 = arith.addi %mul3A_0, %add3A_11 : i32
    %dma_start3A_13 = arith.constant 0 : i32
    %dma_start3A_14 = tpu.memref_slice %arg15[%add3A_12, %dma_start3A_13] : memref<10240x32xf32, #tpu.memory_space<vmem_shared>> -> memref<128x32xf32, #tpu.memory_space<vmem_shared>>
    tpu.enqueue_dma source(%arg6 : memref<128x32xf32, #tpu.memory_space<hbm>>) target(%dma_start3A_14 : memref<128x32xf32, #tpu.memory_space<vmem_shared>>) target_semaphore(%arg17 : memref<!tpu.dma_semaphore, #tpu.memory_space<semaphore_mem>>)
    %add3A_15 = arith.constant 512 : i32
    %add3A_16 = arith.addi %mul3A_0, %add3A_15 : i32
    %dma_start3A_17 = arith.constant 0 : i32
    %dma_start3A_18 = tpu.memref_slice %arg15[%add3A_16, %dma_start3A_17] : memref<10240x32xf32, #tpu.memory_space<vmem_shared>> -> memref<128x32xf32, #tpu.memory_space<vmem_shared>>
    tpu.enqueue_dma source(%arg6 : memref<128x32xf32, #tpu.memory_space<hbm>>) target(%dma_start3A_18 : memref<128x32xf32, #tpu.memory_space<vmem_shared>>) target_semaphore(%arg17 : memref<!tpu.dma_semaphore, #tpu.memory_space<semaphore_mem>>)
    %dma_start3A_19 = arith.constant 0 : i32
    %dma_start3A_20 = arith.constant 0 : i32
    %dma_start3A_21 = tpu.memref_slice %arg2[%arg1, %dma_start3A_19, %dma_start3A_20] : memref<16x160x128xi32, #tpu.memory_space<hbm>> -> memref<1x160x128xi32, #tpu.memory_space<hbm>>
    %dma_start3A_22 = tpu.memref_squeeze %dma_start3A_21 : memref<1x160x128xi32, #tpu.memory_space<hbm>> -> memref<160x128xi32, #tpu.memory_space<hbm>>
    %dma_start3A_23 = arith.constant 0 : i32
    %dma_start3A_24 = arith.constant 0 : i32
    %dma_start3A_25 = tpu.memref_slice %arg2[%arg1, %dma_start3A_23, %dma_start3A_24] : memref<16x160x128xi32, #tpu.memory_space<hbm>> -> memref<1x160x128xi32, #tpu.memory_space<hbm>>
    %dma_start3A_26 = tpu.memref_squeeze %dma_start3A_25 : memref<1x160x128xi32, #tpu.memory_space<hbm>> -> memref<160x128xi32, #tpu.memory_space<hbm>>
    tpu.enqueue_dma source(%dma_start3A_26 : memref<160x128xi32, #tpu.memory_space<hbm>>) target(%arg9 : memref<160x128xi32, #tpu.memory_space<vmem>>) target_semaphore(%arg19 : memref<!tpu.dma_semaphore, #tpu.memory_space<semaphore_mem>>)
    %dma_start3A_27 = arith.constant 0 : i32
    %dma_start3A_28 = arith.constant 0 : i32
    %dma_start3A_29 = tpu.memref_slice %arg3[%arg1, %dma_start3A_27, %dma_start3A_28] : memref<16x160x128xi32, #tpu.memory_space<hbm>> -> memref<1x160x128xi32, #tpu.memory_space<hbm>>
    %dma_start3A_30 = tpu.memref_squeeze %dma_start3A_29 : memref<1x160x128xi32, #tpu.memory_space<hbm>> -> memref<160x128xi32, #tpu.memory_space<hbm>>
    %dma_start3A_31 = arith.constant 0 : i32
    %dma_start3A_32 = arith.constant 0 : i32
    %dma_start3A_33 = tpu.memref_slice %arg3[%arg1, %dma_start3A_31, %dma_start3A_32] : memref<16x160x128xi32, #tpu.memory_space<hbm>> -> memref<1x160x128xi32, #tpu.memory_space<hbm>>
    %dma_start3A_34 = tpu.memref_squeeze %dma_start3A_33 : memref<1x160x128xi32, #tpu.memory_space<hbm>> -> memref<160x128xi32, #tpu.memory_space<hbm>>
    tpu.enqueue_dma source(%dma_start3A_34 : memref<160x128xi32, #tpu.memory_space<hbm>>) target(%arg10 : memref<160x128xi32, #tpu.memory_space<vmem>>) target_semaphore(%arg20 : memref<!tpu.dma_semaphore, #tpu.memory_space<semaphore_mem>>)
    %eq3A = arith.constant 0 : i32
    %eq3A_35 = arith.cmpi eq, %arg0, %eq3A : i32
    %convert_element_type3A = arith.extui %eq3A_35 : i1 to i32
    %cond3A = arith.constant 0 : i32
    %cond3A_36 = arith.cmpi ne, %convert_element_type3A, %cond3A : i32
    scf.if %cond3A_36 {
      %dma_start3A_199 = arith.constant 0 : i32
      %dma_start3A_200 = tpu.memref_slice %arg16[%mul3A_0, %dma_start3A_199] : memref<10240x32xf32, #tpu.memory_space<vmem_shared>> -> memref<640x32xf32, #tpu.memory_space<vmem_shared>>
      %dma_start3A_201 = arith.constant 0 : i32
      %dma_start3A_202 = tpu.memref_slice %arg4[%mul3A_0, %dma_start3A_201] : memref<10240x32xf32, #tpu.memory_space<hbm>> -> memref<640x32xf32, #tpu.memory_space<hbm>>
      tpu.enqueue_dma source(%dma_start3A_202 : memref<640x32xf32, #tpu.memory_space<hbm>>) target(%dma_start3A_200 : memref<640x32xf32, #tpu.memory_space<vmem_shared>>) target_semaphore(%arg18 : memref<!tpu.dma_semaphore, #tpu.memory_space<semaphore_mem>>)
    } else {
    }
    %eq3A_37 = arith.constant 1 : i32
    %eq3A_38 = arith.cmpi eq, %arg0, %eq3A_37 : i32
    %convert_element_type3A_39 = arith.extui %eq3A_38 : i1 to i32
    %cond3A_40 = arith.constant 0 : i32
    %cond3A_41 = arith.cmpi ne, %convert_element_type3A_39, %cond3A_40 : i32
    scf.if %cond3A_41 {
      %dma_start3A_199 = arith.constant 0 : i32
      %dma_start3A_200 = tpu.memref_slice %arg16[%mul3A_0, %dma_start3A_199] : memref<10240x32xf32, #tpu.memory_space<vmem_shared>> -> memref<640x32xf32, #tpu.memory_space<vmem_shared>>
      %dma_start3A_201 = arith.constant 0 : i32
      %dma_start3A_202 = tpu.memref_slice %arg5[%mul3A_0, %dma_start3A_201] : memref<10240x32xf32, #tpu.memory_space<hbm>> -> memref<640x32xf32, #tpu.memory_space<hbm>>
      tpu.enqueue_dma source(%dma_start3A_202 : memref<640x32xf32, #tpu.memory_space<hbm>>) target(%dma_start3A_200 : memref<640x32xf32, #tpu.memory_space<vmem_shared>>) target_semaphore(%arg18 : memref<!tpu.dma_semaphore, #tpu.memory_space<semaphore_mem>>)
    } else {
    }
    %dma_wait3A = arith.constant 0 : i32
    %dma_wait3A_42 = tpu.memref_slice %arg15[%mul3A_0, %dma_wait3A] : memref<10240x32xf32, #tpu.memory_space<vmem_shared>> -> memref<128x32xf32, #tpu.memory_space<vmem_shared>>
    tpu.wait_dma2 semaphore(%arg17 : memref<!tpu.dma_semaphore, #tpu.memory_space<semaphore_mem>>) src(%arg6 : memref<128x32xf32, #tpu.memory_space<hbm>>) dst(%dma_wait3A_42 : memref<128x32xf32, #tpu.memory_space<vmem_shared>>)
    %dma_wait3A_43 = arith.constant 0 : i32
    %dma_wait3A_44 = tpu.memref_slice %arg15[%mul3A_0, %dma_wait3A_43] : memref<10240x32xf32, #tpu.memory_space<vmem_shared>> -> memref<128x32xf32, #tpu.memory_space<vmem_shared>>
    tpu.wait_dma2 semaphore(%arg17 : memref<!tpu.dma_semaphore, #tpu.memory_space<semaphore_mem>>) src(%arg6 : memref<128x32xf32, #tpu.memory_space<hbm>>) dst(%dma_wait3A_44 : memref<128x32xf32, #tpu.memory_space<vmem_shared>>)
    %dma_wait3A_45 = arith.constant 0 : i32
    %dma_wait3A_46 = tpu.memref_slice %arg15[%mul3A_0, %dma_wait3A_45] : memref<10240x32xf32, #tpu.memory_space<vmem_shared>> -> memref<128x32xf32, #tpu.memory_space<vmem_shared>>
    tpu.wait_dma2 semaphore(%arg17 : memref<!tpu.dma_semaphore, #tpu.memory_space<semaphore_mem>>) src(%arg6 : memref<128x32xf32, #tpu.memory_space<hbm>>) dst(%dma_wait3A_46 : memref<128x32xf32, #tpu.memory_space<vmem_shared>>)
    %dma_wait3A_47 = arith.constant 0 : i32
    %dma_wait3A_48 = tpu.memref_slice %arg15[%mul3A_0, %dma_wait3A_47] : memref<10240x32xf32, #tpu.memory_space<vmem_shared>> -> memref<128x32xf32, #tpu.memory_space<vmem_shared>>
    tpu.wait_dma2 semaphore(%arg17 : memref<!tpu.dma_semaphore, #tpu.memory_space<semaphore_mem>>) src(%arg6 : memref<128x32xf32, #tpu.memory_space<hbm>>) dst(%dma_wait3A_48 : memref<128x32xf32, #tpu.memory_space<vmem_shared>>)
    %dma_wait3A_49 = arith.constant 0 : i32
    %dma_wait3A_50 = tpu.memref_slice %arg15[%mul3A_0, %dma_wait3A_49] : memref<10240x32xf32, #tpu.memory_space<vmem_shared>> -> memref<128x32xf32, #tpu.memory_space<vmem_shared>>
    tpu.wait_dma2 semaphore(%arg17 : memref<!tpu.dma_semaphore, #tpu.memory_space<semaphore_mem>>) src(%arg6 : memref<128x32xf32, #tpu.memory_space<hbm>>) dst(%dma_wait3A_50 : memref<128x32xf32, #tpu.memory_space<vmem_shared>>)
    %dma_wait3A_51 = arith.constant 0 : i32
    %dma_wait3A_52 = tpu.memref_slice %arg16[%mul3A_0, %dma_wait3A_51] : memref<10240x32xf32, #tpu.memory_space<vmem_shared>> -> memref<640x32xf32, #tpu.memory_space<vmem_shared>>
    %dma_wait3A_53 = arith.constant 0 : i32
    %dma_wait3A_54 = tpu.memref_slice %arg4[%mul3A_0, %dma_wait3A_53] : memref<10240x32xf32, #tpu.memory_space<hbm>> -> memref<640x32xf32, #tpu.memory_space<hbm>>
    tpu.wait_dma2 semaphore(%arg18 : memref<!tpu.dma_semaphore, #tpu.memory_space<semaphore_mem>>) src(%dma_wait3A_54 : memref<640x32xf32, #tpu.memory_space<hbm>>) dst(%dma_wait3A_52 : memref<640x32xf32, #tpu.memory_space<vmem_shared>>)
    %dma_wait3A_55 = arith.constant 0 : i32
    %dma_wait3A_56 = arith.constant 0 : i32
    %dma_wait3A_57 = tpu.memref_slice %arg2[%arg1, %dma_wait3A_55, %dma_wait3A_56] : memref<16x160x128xi32, #tpu.memory_space<hbm>> -> memref<1x160x128xi32, #tpu.memory_space<hbm>>
    %dma_wait3A_58 = tpu.memref_squeeze %dma_wait3A_57 : memref<1x160x128xi32, #tpu.memory_space<hbm>> -> memref<160x128xi32, #tpu.memory_space<hbm>>
    %dma_wait3A_59 = arith.constant 0 : i32
    %dma_wait3A_60 = arith.constant 0 : i32
    %dma_wait3A_61 = tpu.memref_slice %arg2[%arg1, %dma_wait3A_59, %dma_wait3A_60] : memref<16x160x128xi32, #tpu.memory_space<hbm>> -> memref<1x160x128xi32, #tpu.memory_space<hbm>>
    %dma_wait3A_62 = tpu.memref_squeeze %dma_wait3A_61 : memref<1x160x128xi32, #tpu.memory_space<hbm>> -> memref<160x128xi32, #tpu.memory_space<hbm>>
    tpu.wait_dma2 semaphore(%arg19 : memref<!tpu.dma_semaphore, #tpu.memory_space<semaphore_mem>>) src(%dma_wait3A_62 : memref<160x128xi32, #tpu.memory_space<hbm>>) dst(%arg9 : memref<160x128xi32, #tpu.memory_space<vmem>>)
    %dma_wait3A_63 = arith.constant 0 : i32
    %dma_wait3A_64 = arith.constant 0 : i32
    %dma_wait3A_65 = tpu.memref_slice %arg3[%arg1, %dma_wait3A_63, %dma_wait3A_64] : memref<16x160x128xi32, #tpu.memory_space<hbm>> -> memref<1x160x128xi32, #tpu.memory_space<hbm>>
    %dma_wait3A_66 = tpu.memref_squeeze %dma_wait3A_65 : memref<1x160x128xi32, #tpu.memory_space<hbm>> -> memref<160x128xi32, #tpu.memory_space<hbm>>
    %dma_wait3A_67 = arith.constant 0 : i32
    %dma_wait3A_68 = arith.constant 0 : i32
    %dma_wait3A_69 = tpu.memref_slice %arg3[%arg1, %dma_wait3A_67, %dma_wait3A_68] : memref<16x160x128xi32, #tpu.memory_space<hbm>> -> memref<1x160x128xi32, #tpu.memory_space<hbm>>
    %dma_wait3A_70 = tpu.memref_squeeze %dma_wait3A_69 : memref<1x160x128xi32, #tpu.memory_space<hbm>> -> memref<160x128xi32, #tpu.memory_space<hbm>>
    tpu.wait_dma2 semaphore(%arg20 : memref<!tpu.dma_semaphore, #tpu.memory_space<semaphore_mem>>) src(%dma_wait3A_70 : memref<160x128xi32, #tpu.memory_space<hbm>>) dst(%arg10 : memref<160x128xi32, #tpu.memory_space<vmem>>)
    %barrier3A = arith.constant 0 : index
    tpu.barrier barrier_id(%barrier3A)
    %dma_start3A_71 = arith.constant 0 : i32
    %dma_start3A_72 = arith.constant 0 : i32
    %dma_start3A_73 = tpu.memref_slice %arg9[%dma_start3A_71, %dma_start3A_72] : memref<160x128xi32, #tpu.memory_space<vmem>> -> memref<1x128xi32, #tpu.memory_space<vmem>>
    %dma_start3A_74 = tpu.memref_squeeze %dma_start3A_73 : memref<1x128xi32, #tpu.memory_space<vmem>> -> memref<128xi32, #tpu.memory_space<vmem>>
    %dma_start3A_75 = arith.constant 0 : i32
    %dma_start3A_76 = arith.constant 0 : i32
    %dma_start3A_77 = tpu.memref_slice %arg16[%dma_start3A_75, %dma_start3A_76] : memref<10240x32xf32, #tpu.memory_space<vmem_shared>> -> memref<10240x32xf32, #tpu.memory_space<vmem_shared>>
    tpu.enqueue_indirect_dma source(%dma_start3A_77 : memref<10240x32xf32, #tpu.memory_space<vmem_shared>>) target(%arg11 : memref<128x32xf32, #tpu.memory_space<vmem>>) offsets(%dma_start3A_74 : memref<128xi32, #tpu.memory_space<vmem>>) semaphore(%arg19 : memref<!tpu.dma_semaphore, #tpu.memory_space<semaphore_mem>>)
    %dma_start3A_78 = arith.constant 1 : i32
    %dma_start3A_79 = arith.constant 0 : i32
    %dma_start3A_80 = tpu.memref_slice %arg9[%dma_start3A_78, %dma_start3A_79] : memref<160x128xi32, #tpu.memory_space<vmem>> -> memref<1x128xi32, #tpu.memory_space<vmem>>
    %dma_start3A_81 = tpu.memref_squeeze %dma_start3A_80 : memref<1x128xi32, #tpu.memory_space<vmem>> -> memref<128xi32, #tpu.memory_space<vmem>>
    %dma_start3A_82 = arith.constant 0 : i32
    %dma_start3A_83 = arith.constant 0 : i32
    %dma_start3A_84 = tpu.memref_slice %arg16[%dma_start3A_82, %dma_start3A_83] : memref<10240x32xf32, #tpu.memory_space<vmem_shared>> -> memref<10240x32xf32, #tpu.memory_space<vmem_shared>>
    tpu.enqueue_indirect_dma source(%dma_start3A_84 : memref<10240x32xf32, #tpu.memory_space<vmem_shared>>) target(%arg12 : memref<128x32xf32, #tpu.memory_space<vmem>>) offsets(%dma_start3A_81 : memref<128xi32, #tpu.memory_space<vmem>>) semaphore(%arg20 : memref<!tpu.dma_semaphore, #tpu.memory_space<semaphore_mem>>)
    %dma_start3A_85 = arith.constant 2 : i32
    %dma_start3A_86 = arith.constant 0 : i32
    %dma_start3A_87 = tpu.memref_slice %arg9[%dma_start3A_85, %dma_start3A_86] : memref<160x128xi32, #tpu.memory_space<vmem>> -> memref<1x128xi32, #tpu.memory_space<vmem>>
    %dma_start3A_88 = tpu.memref_squeeze %dma_start3A_87 : memref<1x128xi32, #tpu.memory_space<vmem>> -> memref<128xi32, #tpu.memory_space<vmem>>
    %dma_start3A_89 = arith.constant 0 : i32
    %dma_start3A_90 = arith.constant 0 : i32
    %dma_start3A_91 = tpu.memref_slice %arg16[%dma_start3A_89, %dma_start3A_90] : memref<10240x32xf32, #tpu.memory_space<vmem_shared>> -> memref<10240x32xf32, #tpu.memory_space<vmem_shared>>
    tpu.enqueue_indirect_dma source(%dma_start3A_91 : memref<10240x32xf32, #tpu.memory_space<vmem_shared>>) target(%arg13 : memref<128x32xf32, #tpu.memory_space<vmem>>) offsets(%dma_start3A_88 : memref<128xi32, #tpu.memory_space<vmem>>) semaphore(%arg21 : memref<!tpu.dma_semaphore, #tpu.memory_space<semaphore_mem>>)
    %dma_start3A_92 = arith.constant 3 : i32
    %dma_start3A_93 = arith.constant 0 : i32
    %dma_start3A_94 = tpu.memref_slice %arg9[%dma_start3A_92, %dma_start3A_93] : memref<160x128xi32, #tpu.memory_space<vmem>> -> memref<1x128xi32, #tpu.memory_space<vmem>>
    %dma_start3A_95 = tpu.memref_squeeze %dma_start3A_94 : memref<1x128xi32, #tpu.memory_space<vmem>> -> memref<128xi32, #tpu.memory_space<vmem>>
    %dma_start3A_96 = arith.constant 0 : i32
    %dma_start3A_97 = arith.constant 0 : i32
    %dma_start3A_98 = tpu.memref_slice %arg16[%dma_start3A_96, %dma_start3A_97] : memref<10240x32xf32, #tpu.memory_space<vmem_shared>> -> memref<10240x32xf32, #tpu.memory_space<vmem_shared>>
    tpu.enqueue_indirect_dma source(%dma_start3A_98 : memref<10240x32xf32, #tpu.memory_space<vmem_shared>>) target(%arg14 : memref<128x32xf32, #tpu.memory_space<vmem>>) offsets(%dma_start3A_95 : memref<128xi32, #tpu.memory_space<vmem>>) semaphore(%arg22 : memref<!tpu.dma_semaphore, #tpu.memory_space<semaphore_mem>>)
    %scan3A = arith.constant 0 : i32
    %scan3A_99 = arith.constant 0 : i32
    %scan3A_100 = arith.constant 39 : i32
    %scan3A_101 = arith.addi %scan3A_99, %scan3A_100 : i32
    %scan3A_102 = arith.constant 1 : i32
    scf.for %scan3A_199 = %scan3A_99 to %scan3A_101 step %scan3A_102  : i32 {
      %mul3A_200 = arith.constant 4 : i32
      %mul3A_201 = arith.muli %mul3A_200, %scan3A_199 : i32
      %dma_wait3A_202 = arith.constant 0 : i32
      %dma_wait3A_203 = arith.constant 0 : i32
      %dma_wait3A_204 = tpu.memref_slice %arg9[%dma_wait3A_202, %dma_wait3A_203] : memref<160x128xi32, #tpu.memory_space<vmem>> -> memref<1x128xi32, #tpu.memory_space<vmem>>
      %dma_wait3A_205 = tpu.memref_squeeze %dma_wait3A_204 : memref<1x128xi32, #tpu.memory_space<vmem>> -> memref<128xi32, #tpu.memory_space<vmem>>
      %dma_wait3A_206 = arith.constant 0 : i32
      %dma_wait3A_207 = arith.constant 0 : i32
      %dma_wait3A_208 = tpu.memref_slice %arg16[%dma_wait3A_206, %dma_wait3A_207] : memref<10240x32xf32, #tpu.memory_space<vmem_shared>> -> memref<10240x32xf32, #tpu.memory_space<vmem_shared>>
      tpu.wait_indirect_dma semaphore(%arg19 : memref<!tpu.dma_semaphore, #tpu.memory_space<semaphore_mem>>) src(%dma_wait3A_208 : memref<10240x32xf32, #tpu.memory_space<vmem_shared>>) dst(%arg11 : memref<128x32xf32, #tpu.memory_space<vmem>>)
      %add3A_209 = arith.constant 0 : i32
      %add3A_210 = arith.addi %mul3A_201, %add3A_209 : i32
      %dma_start3A_211 = arith.constant 0 : i32
      %dma_start3A_212 = tpu.memref_slice %arg10[%add3A_210, %dma_start3A_211] : memref<160x128xi32, #tpu.memory_space<vmem>> -> memref<1x128xi32, #tpu.memory_space<vmem>>
      %dma_start3A_213 = tpu.memref_squeeze %dma_start3A_212 : memref<1x128xi32, #tpu.memory_space<vmem>> -> memref<128xi32, #tpu.memory_space<vmem>>
      %dma_start3A_214 = arith.constant 0 : i32
      %dma_start3A_215 = arith.constant 0 : i32
      %dma_start3A_216 = tpu.memref_slice %arg15[%dma_start3A_214, %dma_start3A_215] : memref<10240x32xf32, #tpu.memory_space<vmem_shared>> -> memref<10240x32xf32, #tpu.memory_space<vmem_shared>>
      tpu.enqueue_indirect_dma source(%arg11 : memref<128x32xf32, #tpu.memory_space<vmem>>) target(%dma_start3A_216 : memref<10240x32xf32, #tpu.memory_space<vmem_shared>>) offsets(%dma_start3A_213 : memref<128xi32, #tpu.memory_space<vmem>>) semaphore(%arg23 : memref<!tpu.dma_semaphore, #tpu.memory_space<semaphore_mem>>) {add = true}
      %dma_wait3A_217 = arith.constant 0 : i32
      %dma_wait3A_218 = arith.constant 0 : i32
      %dma_wait3A_219 = tpu.memref_slice %arg9[%dma_wait3A_217, %dma_wait3A_218] : memref<160x128xi32, #tpu.memory_space<vmem>> -> memref<1x128xi32, #tpu.memory_space<vmem>>
      %dma_wait3A_220 = tpu.memref_squeeze %dma_wait3A_219 : memref<1x128xi32, #tpu.memory_space<vmem>> -> memref<128xi32, #tpu.memory_space<vmem>>
      %dma_wait3A_221 = arith.constant 0 : i32
      %dma_wait3A_222 = arith.constant 0 : i32
      %dma_wait3A_223 = tpu.memref_slice %arg16[%dma_wait3A_221, %dma_wait3A_222] : memref<10240x32xf32, #tpu.memory_space<vmem_shared>> -> memref<10240x32xf32, #tpu.memory_space<vmem_shared>>
      tpu.wait_indirect_dma semaphore(%arg20 : memref<!tpu.dma_semaphore, #tpu.memory_space<semaphore_mem>>) src(%dma_wait3A_223 : memref<10240x32xf32, #tpu.memory_space<vmem_shared>>) dst(%arg12 : memref<128x32xf32, #tpu.memory_space<vmem>>)
      %add3A_224 = arith.constant 1 : i32
      %add3A_225 = arith.addi %mul3A_201, %add3A_224 : i32
      %dma_start3A_226 = arith.constant 0 : i32
      %dma_start3A_227 = tpu.memref_slice %arg10[%add3A_225, %dma_start3A_226] : memref<160x128xi32, #tpu.memory_space<vmem>> -> memref<1x128xi32, #tpu.memory_space<vmem>>
      %dma_start3A_228 = tpu.memref_squeeze %dma_start3A_227 : memref<1x128xi32, #tpu.memory_space<vmem>> -> memref<128xi32, #tpu.memory_space<vmem>>
      %dma_start3A_229 = arith.constant 0 : i32
      %dma_start3A_230 = arith.constant 0 : i32
      %dma_start3A_231 = tpu.memref_slice %arg15[%dma_start3A_229, %dma_start3A_230] : memref<10240x32xf32, #tpu.memory_space<vmem_shared>> -> memref<10240x32xf32, #tpu.memory_space<vmem_shared>>
      tpu.enqueue_indirect_dma source(%arg12 : memref<128x32xf32, #tpu.memory_space<vmem>>) target(%dma_start3A_231 : memref<10240x32xf32, #tpu.memory_space<vmem_shared>>) offsets(%dma_start3A_228 : memref<128xi32, #tpu.memory_space<vmem>>) semaphore(%arg24 : memref<!tpu.dma_semaphore, #tpu.memory_space<semaphore_mem>>) {add = true}
      %dma_wait3A_232 = arith.constant 0 : i32
      %dma_wait3A_233 = arith.constant 0 : i32
      %dma_wait3A_234 = tpu.memref_slice %arg9[%dma_wait3A_232, %dma_wait3A_233] : memref<160x128xi32, #tpu.memory_space<vmem>> -> memref<1x128xi32, #tpu.memory_space<vmem>>
      %dma_wait3A_235 = tpu.memref_squeeze %dma_wait3A_234 : memref<1x128xi32, #tpu.memory_space<vmem>> -> memref<128xi32, #tpu.memory_space<vmem>>
      %dma_wait3A_236 = arith.constant 0 : i32
      %dma_wait3A_237 = arith.constant 0 : i32
      %dma_wait3A_238 = tpu.memref_slice %arg16[%dma_wait3A_236, %dma_wait3A_237] : memref<10240x32xf32, #tpu.memory_space<vmem_shared>> -> memref<10240x32xf32, #tpu.memory_space<vmem_shared>>
      tpu.wait_indirect_dma semaphore(%arg21 : memref<!tpu.dma_semaphore, #tpu.memory_space<semaphore_mem>>) src(%dma_wait3A_238 : memref<10240x32xf32, #tpu.memory_space<vmem_shared>>) dst(%arg13 : memref<128x32xf32, #tpu.memory_space<vmem>>)
      %add3A_239 = arith.constant 2 : i32
      %add3A_240 = arith.addi %mul3A_201, %add3A_239 : i32
      %dma_start3A_241 = arith.constant 0 : i32
      %dma_start3A_242 = tpu.memref_slice %arg10[%add3A_240, %dma_start3A_241] : memref<160x128xi32, #tpu.memory_space<vmem>> -> memref<1x128xi32, #tpu.memory_space<vmem>>
      %dma_start3A_243 = tpu.memref_squeeze %dma_start3A_242 : memref<1x128xi32, #tpu.memory_space<vmem>> -> memref<128xi32, #tpu.memory_space<vmem>>
      %dma_start3A_244 = arith.constant 0 : i32
      %dma_start3A_245 = arith.constant 0 : i32
      %dma_start3A_246 = tpu.memref_slice %arg15[%dma_start3A_244, %dma_start3A_245] : memref<10240x32xf32, #tpu.memory_space<vmem_shared>> -> memref<10240x32xf32, #tpu.memory_space<vmem_shared>>
      tpu.enqueue_indirect_dma source(%arg13 : memref<128x32xf32, #tpu.memory_space<vmem>>) target(%dma_start3A_246 : memref<10240x32xf32, #tpu.memory_space<vmem_shared>>) offsets(%dma_start3A_243 : memref<128xi32, #tpu.memory_space<vmem>>) semaphore(%arg25 : memref<!tpu.dma_semaphore, #tpu.memory_space<semaphore_mem>>) {add = true}
      %dma_wait3A_247 = arith.constant 0 : i32
      %dma_wait3A_248 = arith.constant 0 : i32
      %dma_wait3A_249 = tpu.memref_slice %arg9[%dma_wait3A_247, %dma_wait3A_248] : memref<160x128xi32, #tpu.memory_space<vmem>> -> memref<1x128xi32, #tpu.memory_space<vmem>>
      %dma_wait3A_250 = tpu.memref_squeeze %dma_wait3A_249 : memref<1x128xi32, #tpu.memory_space<vmem>> -> memref<128xi32, #tpu.memory_space<vmem>>
      %dma_wait3A_251 = arith.constant 0 : i32
      %dma_wait3A_252 = arith.constant 0 : i32
      %dma_wait3A_253 = tpu.memref_slice %arg16[%dma_wait3A_251, %dma_wait3A_252] : memref<10240x32xf32, #tpu.memory_space<vmem_shared>> -> memref<10240x32xf32, #tpu.memory_space<vmem_shared>>
      tpu.wait_indirect_dma semaphore(%arg22 : memref<!tpu.dma_semaphore, #tpu.memory_space<semaphore_mem>>) src(%dma_wait3A_253 : memref<10240x32xf32, #tpu.memory_space<vmem_shared>>) dst(%arg14 : memref<128x32xf32, #tpu.memory_space<vmem>>)
      %add3A_254 = arith.constant 3 : i32
      %add3A_255 = arith.addi %mul3A_201, %add3A_254 : i32
      %dma_start3A_256 = arith.constant 0 : i32
      %dma_start3A_257 = tpu.memref_slice %arg10[%add3A_255, %dma_start3A_256] : memref<160x128xi32, #tpu.memory_space<vmem>> -> memref<1x128xi32, #tpu.memory_space<vmem>>
      %dma_start3A_258 = tpu.memref_squeeze %dma_start3A_257 : memref<1x128xi32, #tpu.memory_space<vmem>> -> memref<128xi32, #tpu.memory_space<vmem>>
      %dma_start3A_259 = arith.constant 0 : i32
      %dma_start3A_260 = arith.constant 0 : i32
      %dma_start3A_261 = tpu.memref_slice %arg15[%dma_start3A_259, %dma_start3A_260] : memref<10240x32xf32, #tpu.memory_space<vmem_shared>> -> memref<10240x32xf32, #tpu.memory_space<vmem_shared>>
      tpu.enqueue_indirect_dma source(%arg14 : memref<128x32xf32, #tpu.memory_space<vmem>>) target(%dma_start3A_261 : memref<10240x32xf32, #tpu.memory_space<vmem_shared>>) offsets(%dma_start3A_258 : memref<128xi32, #tpu.memory_space<vmem>>) semaphore(%arg26 : memref<!tpu.dma_semaphore, #tpu.memory_space<semaphore_mem>>) {add = true}
      %dma_wait3A_262 = arith.constant 0 : i32
      %dma_wait3A_263 = arith.constant 0 : i32
      %dma_wait3A_264 = tpu.memref_slice %arg10[%dma_wait3A_262, %dma_wait3A_263] : memref<160x128xi32, #tpu.memory_space<vmem>> -> memref<1x128xi32, #tpu.memory_space<vmem>>
      %dma_wait3A_265 = tpu.memref_squeeze %dma_wait3A_264 : memref<1x128xi32, #tpu.memory_space<vmem>> -> memref<128xi32, #tpu.memory_space<vmem>>
      %dma_wait3A_266 = arith.constant 0 : i32
      %dma_wait3A_267 = arith.constant 0 : i32
      %dma_wait3A_268 = tpu.memref_slice %arg15[%dma_wait3A_266, %dma_wait3A_267] : memref<10240x32xf32, #tpu.memory_space<vmem_shared>> -> memref<10240x32xf32, #tpu.memory_space<vmem_shared>>
      tpu.wait_indirect_dma semaphore(%arg23 : memref<!tpu.dma_semaphore, #tpu.memory_space<semaphore_mem>>) src(%arg11 : memref<128x32xf32, #tpu.memory_space<vmem>>) dst(%dma_wait3A_268 : memref<10240x32xf32, #tpu.memory_space<vmem_shared>>)
      %add3A_269 = arith.constant 4 : i32
      %add3A_270 = arith.addi %mul3A_201, %add3A_269 : i32
      %add3A_271 = arith.constant 0 : i32
      %add3A_272 = arith.addi %add3A_270, %add3A_271 : i32
      %dma_start3A_273 = arith.constant 0 : i32
      %dma_start3A_274 = tpu.memref_slice %arg9[%add3A_272, %dma_start3A_273] : memref<160x128xi32, #tpu.memory_space<vmem>> -> memref<1x128xi32, #tpu.memory_space<vmem>>
      %dma_start3A_275 = tpu.memref_squeeze %dma_start3A_274 : memref<1x128xi32, #tpu.memory_space<vmem>> -> memref<128xi32, #tpu.memory_space<vmem>>
      %dma_start3A_276 = arith.constant 0 : i32
      %dma_start3A_277 = arith.constant 0 : i32
      %dma_start3A_278 = tpu.memref_slice %arg16[%dma_start3A_276, %dma_start3A_277] : memref<10240x32xf32, #tpu.memory_space<vmem_shared>> -> memref<10240x32xf32, #tpu.memory_space<vmem_shared>>
      tpu.enqueue_indirect_dma source(%dma_start3A_278 : memref<10240x32xf32, #tpu.memory_space<vmem_shared>>) target(%arg11 : memref<128x32xf32, #tpu.memory_space<vmem>>) offsets(%dma_start3A_275 : memref<128xi32, #tpu.memory_space<vmem>>) semaphore(%arg19 : memref<!tpu.dma_semaphore, #tpu.memory_space<semaphore_mem>>)
      %dma_wait3A_279 = arith.constant 0 : i32
      %dma_wait3A_280 = arith.constant 0 : i32
      %dma_wait3A_281 = tpu.memref_slice %arg10[%dma_wait3A_279, %dma_wait3A_280] : memref<160x128xi32, #tpu.memory_space<vmem>> -> memref<1x128xi32, #tpu.memory_space<vmem>>
      %dma_wait3A_282 = tpu.memref_squeeze %dma_wait3A_281 : memref<1x128xi32, #tpu.memory_space<vmem>> -> memref<128xi32, #tpu.memory_space<vmem>>
      %dma_wait3A_283 = arith.constant 0 : i32
      %dma_wait3A_284 = arith.constant 0 : i32
      %dma_wait3A_285 = tpu.memref_slice %arg15[%dma_wait3A_283, %dma_wait3A_284] : memref<10240x32xf32, #tpu.memory_space<vmem_shared>> -> memref<10240x32xf32, #tpu.memory_space<vmem_shared>>
      tpu.wait_indirect_dma semaphore(%arg24 : memref<!tpu.dma_semaphore, #tpu.memory_space<semaphore_mem>>) src(%arg12 : memref<128x32xf32, #tpu.memory_space<vmem>>) dst(%dma_wait3A_285 : memref<10240x32xf32, #tpu.memory_space<vmem_shared>>)
      %add3A_286 = arith.constant 4 : i32
      %add3A_287 = arith.addi %mul3A_201, %add3A_286 : i32
      %add3A_288 = arith.constant 1 : i32
      %add3A_289 = arith.addi %add3A_287, %add3A_288 : i32
      %dma_start3A_290 = arith.constant 0 : i32
      %dma_start3A_291 = tpu.memref_slice %arg9[%add3A_289, %dma_start3A_290] : memref<160x128xi32, #tpu.memory_space<vmem>> -> memref<1x128xi32, #tpu.memory_space<vmem>>
      %dma_start3A_292 = tpu.memref_squeeze %dma_start3A_291 : memref<1x128xi32, #tpu.memory_space<vmem>> -> memref<128xi32, #tpu.memory_space<vmem>>
      %dma_start3A_293 = arith.constant 0 : i32
      %dma_start3A_294 = arith.constant 0 : i32
      %dma_start3A_295 = tpu.memref_slice %arg16[%dma_start3A_293, %dma_start3A_294] : memref<10240x32xf32, #tpu.memory_space<vmem_shared>> -> memref<10240x32xf32, #tpu.memory_space<vmem_shared>>
      tpu.enqueue_indirect_dma source(%dma_start3A_295 : memref<10240x32xf32, #tpu.memory_space<vmem_shared>>) target(%arg12 : memref<128x32xf32, #tpu.memory_space<vmem>>) offsets(%dma_start3A_292 : memref<128xi32, #tpu.memory_space<vmem>>) semaphore(%arg20 : memref<!tpu.dma_semaphore, #tpu.memory_space<semaphore_mem>>)
      %dma_wait3A_296 = arith.constant 0 : i32
      %dma_wait3A_297 = arith.constant 0 : i32
      %dma_wait3A_298 = tpu.memref_slice %arg10[%dma_wait3A_296, %dma_wait3A_297] : memref<160x128xi32, #tpu.memory_space<vmem>> -> memref<1x128xi32, #tpu.memory_space<vmem>>
      %dma_wait3A_299 = tpu.memref_squeeze %dma_wait3A_298 : memref<1x128xi32, #tpu.memory_space<vmem>> -> memref<128xi32, #tpu.memory_space<vmem>>
      %dma_wait3A_300 = arith.constant 0 : i32
      %dma_wait3A_301 = arith.constant 0 : i32
      %dma_wait3A_302 = tpu.memref_slice %arg15[%dma_wait3A_300, %dma_wait3A_301] : memref<10240x32xf32, #tpu.memory_space<vmem_shared>> -> memref<10240x32xf32, #tpu.memory_space<vmem_shared>>
      tpu.wait_indirect_dma semaphore(%arg25 : memref<!tpu.dma_semaphore, #tpu.memory_space<semaphore_mem>>) src(%arg13 : memref<128x32xf32, #tpu.memory_space<vmem>>) dst(%dma_wait3A_302 : memref<10240x32xf32, #tpu.memory_space<vmem_shared>>)
      %add3A_303 = arith.constant 4 : i32
      %add3A_304 = arith.addi %mul3A_201, %add3A_303 : i32
      %add3A_305 = arith.constant 2 : i32
      %add3A_306 = arith.addi %add3A_304, %add3A_305 : i32
      %dma_start3A_307 = arith.constant 0 : i32
      %dma_start3A_308 = tpu.memref_slice %arg9[%add3A_306, %dma_start3A_307] : memref<160x128xi32, #tpu.memory_space<vmem>> -> memref<1x128xi32, #tpu.memory_space<vmem>>
      %dma_start3A_309 = tpu.memref_squeeze %dma_start3A_308 : memref<1x128xi32, #tpu.memory_space<vmem>> -> memref<128xi32, #tpu.memory_space<vmem>>
      %dma_start3A_310 = arith.constant 0 : i32
      %dma_start3A_311 = arith.constant 0 : i32
      %dma_start3A_312 = tpu.memref_slice %arg16[%dma_start3A_310, %dma_start3A_311] : memref<10240x32xf32, #tpu.memory_space<vmem_shared>> -> memref<10240x32xf32, #tpu.memory_space<vmem_shared>>
      tpu.enqueue_indirect_dma source(%dma_start3A_312 : memref<10240x32xf32, #tpu.memory_space<vmem_shared>>) target(%arg13 : memref<128x32xf32, #tpu.memory_space<vmem>>) offsets(%dma_start3A_309 : memref<128xi32, #tpu.memory_space<vmem>>) semaphore(%arg21 : memref<!tpu.dma_semaphore, #tpu.memory_space<semaphore_mem>>)
      %dma_wait3A_313 = arith.constant 0 : i32
      %dma_wait3A_314 = arith.constant 0 : i32
      %dma_wait3A_315 = tpu.memref_slice %arg10[%dma_wait3A_313, %dma_wait3A_314] : memref<160x128xi32, #tpu.memory_space<vmem>> -> memref<1x128xi32, #tpu.memory_space<vmem>>
      %dma_wait3A_316 = tpu.memref_squeeze %dma_wait3A_315 : memref<1x128xi32, #tpu.memory_space<vmem>> -> memref<128xi32, #tpu.memory_space<vmem>>
      %dma_wait3A_317 = arith.constant 0 : i32
      %dma_wait3A_318 = arith.constant 0 : i32
      %dma_wait3A_319 = tpu.memref_slice %arg15[%dma_wait3A_317, %dma_wait3A_318] : memref<10240x32xf32, #tpu.memory_space<vmem_shared>> -> memref<10240x32xf32, #tpu.memory_space<vmem_shared>>
      tpu.wait_indirect_dma semaphore(%arg26 : memref<!tpu.dma_semaphore, #tpu.memory_space<semaphore_mem>>) src(%arg14 : memref<128x32xf32, #tpu.memory_space<vmem>>) dst(%dma_wait3A_319 : memref<10240x32xf32, #tpu.memory_space<vmem_shared>>)
      %add3A_320 = arith.constant 4 : i32
      %add3A_321 = arith.addi %mul3A_201, %add3A_320 : i32
      %add3A_322 = arith.constant 3 : i32
      %add3A_323 = arith.addi %add3A_321, %add3A_322 : i32
      %dma_start3A_324 = arith.constant 0 : i32
      %dma_start3A_325 = tpu.memref_slice %arg9[%add3A_323, %dma_start3A_324] : memref<160x128xi32, #tpu.memory_space<vmem>> -> memref<1x128xi32, #tpu.memory_space<vmem>>
      %dma_start3A_326 = tpu.memref_squeeze %dma_start3A_325 : memref<1x128xi32, #tpu.memory_space<vmem>> -> memref<128xi32, #tpu.memory_space<vmem>>
      %dma_start3A_327 = arith.constant 0 : i32
      %dma_start3A_328 = arith.constant 0 : i32
      %dma_start3A_329 = tpu.memref_slice %arg16[%dma_start3A_327, %dma_start3A_328] : memref<10240x32xf32, #tpu.memory_space<vmem_shared>> -> memref<10240x32xf32, #tpu.memory_space<vmem_shared>>
      tpu.enqueue_indirect_dma source(%dma_start3A_329 : memref<10240x32xf32, #tpu.memory_space<vmem_shared>>) target(%arg14 : memref<128x32xf32, #tpu.memory_space<vmem>>) offsets(%dma_start3A_326 : memref<128xi32, #tpu.memory_space<vmem>>) semaphore(%arg22 : memref<!tpu.dma_semaphore, #tpu.memory_space<semaphore_mem>>)
    }
    %scan3A_103 = arith.constant 39 : i32
    %dma_wait3A_104 = arith.constant 0 : i32
    %dma_wait3A_105 = arith.constant 0 : i32
    %dma_wait3A_106 = tpu.memref_slice %arg9[%dma_wait3A_104, %dma_wait3A_105] : memref<160x128xi32, #tpu.memory_space<vmem>> -> memref<1x128xi32, #tpu.memory_space<vmem>>
    %dma_wait3A_107 = tpu.memref_squeeze %dma_wait3A_106 : memref<1x128xi32, #tpu.memory_space<vmem>> -> memref<128xi32, #tpu.memory_space<vmem>>
    %dma_wait3A_108 = arith.constant 0 : i32
    %dma_wait3A_109 = arith.constant 0 : i32
    %dma_wait3A_110 = tpu.memref_slice %arg16[%dma_wait3A_108, %dma_wait3A_109] : memref<10240x32xf32, #tpu.memory_space<vmem_shared>> -> memref<10240x32xf32, #tpu.memory_space<vmem_shared>>
    tpu.wait_indirect_dma semaphore(%arg19 : memref<!tpu.dma_semaphore, #tpu.memory_space<semaphore_mem>>) src(%dma_wait3A_110 : memref<10240x32xf32, #tpu.memory_space<vmem_shared>>) dst(%arg11 : memref<128x32xf32, #tpu.memory_space<vmem>>)
    %dma_start3A_111 = arith.constant 156 : i32
    %dma_start3A_112 = arith.constant 0 : i32
    %dma_start3A_113 = tpu.memref_slice %arg10[%dma_start3A_111, %dma_start3A_112] : memref<160x128xi32, #tpu.memory_space<vmem>> -> memref<1x128xi32, #tpu.memory_space<vmem>>
    %dma_start3A_114 = tpu.memref_squeeze %dma_start3A_113 : memref<1x128xi32, #tpu.memory_space<vmem>> -> memref<128xi32, #tpu.memory_space<vmem>>
    %dma_start3A_115 = arith.constant 0 : i32
    %dma_start3A_116 = arith.constant 0 : i32
    %dma_start3A_117 = tpu.memref_slice %arg15[%dma_start3A_115, %dma_start3A_116] : memref<10240x32xf32, #tpu.memory_space<vmem_shared>> -> memref<10240x32xf32, #tpu.memory_space<vmem_shared>>
    tpu.enqueue_indirect_dma source(%arg11 : memref<128x32xf32, #tpu.memory_space<vmem>>) target(%dma_start3A_117 : memref<10240x32xf32, #tpu.memory_space<vmem_shared>>) offsets(%dma_start3A_114 : memref<128xi32, #tpu.memory_space<vmem>>) semaphore(%arg23 : memref<!tpu.dma_semaphore, #tpu.memory_space<semaphore_mem>>) {add = true}
    %dma_wait3A_118 = arith.constant 0 : i32
    %dma_wait3A_119 = arith.constant 0 : i32
    %dma_wait3A_120 = tpu.memref_slice %arg9[%dma_wait3A_118, %dma_wait3A_119] : memref<160x128xi32, #tpu.memory_space<vmem>> -> memref<1x128xi32, #tpu.memory_space<vmem>>
    %dma_wait3A_121 = tpu.memref_squeeze %dma_wait3A_120 : memref<1x128xi32, #tpu.memory_space<vmem>> -> memref<128xi32, #tpu.memory_space<vmem>>
    %dma_wait3A_122 = arith.constant 0 : i32
    %dma_wait3A_123 = arith.constant 0 : i32
    %dma_wait3A_124 = tpu.memref_slice %arg16[%dma_wait3A_122, %dma_wait3A_123] : memref<10240x32xf32, #tpu.memory_space<vmem_shared>> -> memref<10240x32xf32, #tpu.memory_space<vmem_shared>>
    tpu.wait_indirect_dma semaphore(%arg20 : memref<!tpu.dma_semaphore, #tpu.memory_space<semaphore_mem>>) src(%dma_wait3A_124 : memref<10240x32xf32, #tpu.memory_space<vmem_shared>>) dst(%arg12 : memref<128x32xf32, #tpu.memory_space<vmem>>)
    %dma_start3A_125 = arith.constant 157 : i32
    %dma_start3A_126 = arith.constant 0 : i32
    %dma_start3A_127 = tpu.memref_slice %arg10[%dma_start3A_125, %dma_start3A_126] : memref<160x128xi32, #tpu.memory_space<vmem>> -> memref<1x128xi32, #tpu.memory_space<vmem>>
    %dma_start3A_128 = tpu.memref_squeeze %dma_start3A_127 : memref<1x128xi32, #tpu.memory_space<vmem>> -> memref<128xi32, #tpu.memory_space<vmem>>
    %dma_start3A_129 = arith.constant 0 : i32
    %dma_start3A_130 = arith.constant 0 : i32
    %dma_start3A_131 = tpu.memref_slice %arg15[%dma_start3A_129, %dma_start3A_130] : memref<10240x32xf32, #tpu.memory_space<vmem_shared>> -> memref<10240x32xf32, #tpu.memory_space<vmem_shared>>
    tpu.enqueue_indirect_dma source(%arg12 : memref<128x32xf32, #tpu.memory_space<vmem>>) target(%dma_start3A_131 : memref<10240x32xf32, #tpu.memory_space<vmem_shared>>) offsets(%dma_start3A_128 : memref<128xi32, #tpu.memory_space<vmem>>) semaphore(%arg24 : memref<!tpu.dma_semaphore, #tpu.memory_space<semaphore_mem>>) {add = true}
    %dma_wait3A_132 = arith.constant 0 : i32
    %dma_wait3A_133 = arith.constant 0 : i32
    %dma_wait3A_134 = tpu.memref_slice %arg9[%dma_wait3A_132, %dma_wait3A_133] : memref<160x128xi32, #tpu.memory_space<vmem>> -> memref<1x128xi32, #tpu.memory_space<vmem>>
    %dma_wait3A_135 = tpu.memref_squeeze %dma_wait3A_134 : memref<1x128xi32, #tpu.memory_space<vmem>> -> memref<128xi32, #tpu.memory_space<vmem>>
    %dma_wait3A_136 = arith.constant 0 : i32
    %dma_wait3A_137 = arith.constant 0 : i32
    %dma_wait3A_138 = tpu.memref_slice %arg16[%dma_wait3A_136, %dma_wait3A_137] : memref<10240x32xf32, #tpu.memory_space<vmem_shared>> -> memref<10240x32xf32, #tpu.memory_space<vmem_shared>>
    tpu.wait_indirect_dma semaphore(%arg21 : memref<!tpu.dma_semaphore, #tpu.memory_space<semaphore_mem>>) src(%dma_wait3A_138 : memref<10240x32xf32, #tpu.memory_space<vmem_shared>>) dst(%arg13 : memref<128x32xf32, #tpu.memory_space<vmem>>)
    %dma_start3A_139 = arith.constant 158 : i32
    %dma_start3A_140 = arith.constant 0 : i32
    %dma_start3A_141 = tpu.memref_slice %arg10[%dma_start3A_139, %dma_start3A_140] : memref<160x128xi32, #tpu.memory_space<vmem>> -> memref<1x128xi32, #tpu.memory_space<vmem>>
    %dma_start3A_142 = tpu.memref_squeeze %dma_start3A_141 : memref<1x128xi32, #tpu.memory_space<vmem>> -> memref<128xi32, #tpu.memory_space<vmem>>
    %dma_start3A_143 = arith.constant 0 : i32
    %dma_start3A_144 = arith.constant 0 : i32
    %dma_start3A_145 = tpu.memref_slice %arg15[%dma_start3A_143, %dma_start3A_144] : memref<10240x32xf32, #tpu.memory_space<vmem_shared>> -> memref<10240x32xf32, #tpu.memory_space<vmem_shared>>
    tpu.enqueue_indirect_dma source(%arg13 : memref<128x32xf32, #tpu.memory_space<vmem>>) target(%dma_start3A_145 : memref<10240x32xf32, #tpu.memory_space<vmem_shared>>) offsets(%dma_start3A_142 : memref<128xi32, #tpu.memory_space<vmem>>) semaphore(%arg25 : memref<!tpu.dma_semaphore, #tpu.memory_space<semaphore_mem>>) {add = true}
    %dma_wait3A_146 = arith.constant 0 : i32
    %dma_wait3A_147 = arith.constant 0 : i32
    %dma_wait3A_148 = tpu.memref_slice %arg9[%dma_wait3A_146, %dma_wait3A_147] : memref<160x128xi32, #tpu.memory_space<vmem>> -> memref<1x128xi32, #tpu.memory_space<vmem>>
    %dma_wait3A_149 = tpu.memref_squeeze %dma_wait3A_148 : memref<1x128xi32, #tpu.memory_space<vmem>> -> memref<128xi32, #tpu.memory_space<vmem>>
    %dma_wait3A_150 = arith.constant 0 : i32
    %dma_wait3A_151 = arith.constant 0 : i32
    %dma_wait3A_152 = tpu.memref_slice %arg16[%dma_wait3A_150, %dma_wait3A_151] : memref<10240x32xf32, #tpu.memory_space<vmem_shared>> -> memref<10240x32xf32, #tpu.memory_space<vmem_shared>>
    tpu.wait_indirect_dma semaphore(%arg22 : memref<!tpu.dma_semaphore, #tpu.memory_space<semaphore_mem>>) src(%dma_wait3A_152 : memref<10240x32xf32, #tpu.memory_space<vmem_shared>>) dst(%arg14 : memref<128x32xf32, #tpu.memory_space<vmem>>)
    %dma_start3A_153 = arith.constant 159 : i32
    %dma_start3A_154 = arith.constant 0 : i32
    %dma_start3A_155 = tpu.memref_slice %arg10[%dma_start3A_153, %dma_start3A_154] : memref<160x128xi32, #tpu.memory_space<vmem>> -> memref<1x128xi32, #tpu.memory_space<vmem>>
    %dma_start3A_156 = tpu.memref_squeeze %dma_start3A_155 : memref<1x128xi32, #tpu.memory_space<vmem>> -> memref<128xi32, #tpu.memory_space<vmem>>
    %dma_start3A_157 = arith.constant 0 : i32
    %dma_start3A_158 = arith.constant 0 : i32
    %dma_start3A_159 = tpu.memref_slice %arg15[%dma_start3A_157, %dma_start3A_158] : memref<10240x32xf32, #tpu.memory_space<vmem_shared>> -> memref<10240x32xf32, #tpu.memory_space<vmem_shared>>
    tpu.enqueue_indirect_dma source(%arg14 : memref<128x32xf32, #tpu.memory_space<vmem>>) target(%dma_start3A_159 : memref<10240x32xf32, #tpu.memory_space<vmem_shared>>) offsets(%dma_start3A_156 : memref<128xi32, #tpu.memory_space<vmem>>) semaphore(%arg26 : memref<!tpu.dma_semaphore, #tpu.memory_space<semaphore_mem>>) {add = true}
    %dma_wait3A_160 = arith.constant 0 : i32
    %dma_wait3A_161 = arith.constant 0 : i32
    %dma_wait3A_162 = tpu.memref_slice %arg10[%dma_wait3A_160, %dma_wait3A_161] : memref<160x128xi32, #tpu.memory_space<vmem>> -> memref<1x128xi32, #tpu.memory_space<vmem>>
    %dma_wait3A_163 = tpu.memref_squeeze %dma_wait3A_162 : memref<1x128xi32, #tpu.memory_space<vmem>> -> memref<128xi32, #tpu.memory_space<vmem>>
    %dma_wait3A_164 = arith.constant 0 : i32
    %dma_wait3A_165 = arith.constant 0 : i32
    %dma_wait3A_166 = tpu.memref_slice %arg15[%dma_wait3A_164, %dma_wait3A_165] : memref<10240x32xf32, #tpu.memory_space<vmem_shared>> -> memref<10240x32xf32, #tpu.memory_space<vmem_shared>>
    tpu.wait_indirect_dma semaphore(%arg23 : memref<!tpu.dma_semaphore, #tpu.memory_space<semaphore_mem>>) src(%arg11 : memref<128x32xf32, #tpu.memory_space<vmem>>) dst(%dma_wait3A_166 : memref<10240x32xf32, #tpu.memory_space<vmem_shared>>)
    %dma_wait3A_167 = arith.constant 0 : i32
    %dma_wait3A_168 = arith.constant 0 : i32
    %dma_wait3A_169 = tpu.memref_slice %arg10[%dma_wait3A_167, %dma_wait3A_168] : memref<160x128xi32, #tpu.memory_space<vmem>> -> memref<1x128xi32, #tpu.memory_space<vmem>>
    %dma_wait3A_170 = tpu.memref_squeeze %dma_wait3A_169 : memref<1x128xi32, #tpu.memory_space<vmem>> -> memref<128xi32, #tpu.memory_space<vmem>>
    %dma_wait3A_171 = arith.constant 0 : i32
    %dma_wait3A_172 = arith.constant 0 : i32
    %dma_wait3A_173 = tpu.memref_slice %arg15[%dma_wait3A_171, %dma_wait3A_172] : memref<10240x32xf32, #tpu.memory_space<vmem_shared>> -> memref<10240x32xf32, #tpu.memory_space<vmem_shared>>
    tpu.wait_indirect_dma semaphore(%arg24 : memref<!tpu.dma_semaphore, #tpu.memory_space<semaphore_mem>>) src(%arg12 : memref<128x32xf32, #tpu.memory_space<vmem>>) dst(%dma_wait3A_173 : memref<10240x32xf32, #tpu.memory_space<vmem_shared>>)
    %dma_wait3A_174 = arith.constant 0 : i32
    %dma_wait3A_175 = arith.constant 0 : i32
    %dma_wait3A_176 = tpu.memref_slice %arg10[%dma_wait3A_174, %dma_wait3A_175] : memref<160x128xi32, #tpu.memory_space<vmem>> -> memref<1x128xi32, #tpu.memory_space<vmem>>
    %dma_wait3A_177 = tpu.memref_squeeze %dma_wait3A_176 : memref<1x128xi32, #tpu.memory_space<vmem>> -> memref<128xi32, #tpu.memory_space<vmem>>
    %dma_wait3A_178 = arith.constant 0 : i32
    %dma_wait3A_179 = arith.constant 0 : i32
    %dma_wait3A_180 = tpu.memref_slice %arg15[%dma_wait3A_178, %dma_wait3A_179] : memref<10240x32xf32, #tpu.memory_space<vmem_shared>> -> memref<10240x32xf32, #tpu.memory_space<vmem_shared>>
    tpu.wait_indirect_dma semaphore(%arg25 : memref<!tpu.dma_semaphore, #tpu.memory_space<semaphore_mem>>) src(%arg13 : memref<128x32xf32, #tpu.memory_space<vmem>>) dst(%dma_wait3A_180 : memref<10240x32xf32, #tpu.memory_space<vmem_shared>>)
    %dma_wait3A_181 = arith.constant 0 : i32
    %dma_wait3A_182 = arith.constant 0 : i32
    %dma_wait3A_183 = tpu.memref_slice %arg10[%dma_wait3A_181, %dma_wait3A_182] : memref<160x128xi32, #tpu.memory_space<vmem>> -> memref<1x128xi32, #tpu.memory_space<vmem>>
    %dma_wait3A_184 = tpu.memref_squeeze %dma_wait3A_183 : memref<1x128xi32, #tpu.memory_space<vmem>> -> memref<128xi32, #tpu.memory_space<vmem>>
    %dma_wait3A_185 = arith.constant 0 : i32
    %dma_wait3A_186 = arith.constant 0 : i32
    %dma_wait3A_187 = tpu.memref_slice %arg15[%dma_wait3A_185, %dma_wait3A_186] : memref<10240x32xf32, #tpu.memory_space<vmem_shared>> -> memref<10240x32xf32, #tpu.memory_space<vmem_shared>>
    tpu.wait_indirect_dma semaphore(%arg26 : memref<!tpu.dma_semaphore, #tpu.memory_space<semaphore_mem>>) src(%arg14 : memref<128x32xf32, #tpu.memory_space<vmem>>) dst(%dma_wait3A_187 : memref<10240x32xf32, #tpu.memory_space<vmem_shared>>)
    %barrier3A_188 = arith.constant 0 : index
    tpu.barrier barrier_id(%barrier3A_188)
    %eq3A_189 = arith.constant 0 : i32
    %eq3A_190 = arith.cmpi eq, %arg0, %eq3A_189 : i32
    %convert_element_type3A_191 = arith.extui %eq3A_190 : i1 to i32
    %cond3A_192 = arith.constant 0 : i32
    %cond3A_193 = arith.cmpi ne, %convert_element_type3A_191, %cond3A_192 : i32
    scf.if %cond3A_193 {
      "tpu.region"() ({
        %run_scoped3A = tpu.sem_alloc : memref<!tpu.dma_semaphore, #tpu.memory_space<semaphore_mem>>
        %dma_start3A_199 = arith.constant 0 : i32
        %dma_start3A_200 = tpu.memref_slice %arg7[%mul3A_0, %dma_start3A_199] : memref<10240x32xf32, #tpu.memory_space<hbm>> -> memref<640x32xf32, #tpu.memory_space<hbm>>
        %dma_start3A_201 = arith.constant 0 : i32
        %dma_start3A_202 = tpu.memref_slice %arg15[%mul3A_0, %dma_start3A_201] : memref<10240x32xf32, #tpu.memory_space<vmem_shared>> -> memref<640x32xf32, #tpu.memory_space<vmem_shared>>
        tpu.enqueue_dma source(%dma_start3A_202 : memref<640x32xf32, #tpu.memory_space<vmem_shared>>) target(%dma_start3A_200 : memref<640x32xf32, #tpu.memory_space<hbm>>) target_semaphore(%run_scoped3A : memref<!tpu.dma_semaphore, #tpu.memory_space<semaphore_mem>>)
        %dma_wait3A_203 = arith.constant 0 : i32
        %dma_wait3A_204 = tpu.memref_slice %arg7[%mul3A_0, %dma_wait3A_203] : memref<10240x32xf32, #tpu.memory_space<hbm>> -> memref<640x32xf32, #tpu.memory_space<hbm>>
        %dma_wait3A_205 = arith.constant 0 : i32
        %dma_wait3A_206 = tpu.memref_slice %arg15[%mul3A_0, %dma_wait3A_205] : memref<10240x32xf32, #tpu.memory_space<vmem_shared>> -> memref<640x32xf32, #tpu.memory_space<vmem_shared>>
        tpu.wait_dma2 semaphore(%run_scoped3A : memref<!tpu.dma_semaphore, #tpu.memory_space<semaphore_mem>>) src(%dma_wait3A_206 : memref<640x32xf32, #tpu.memory_space<vmem_shared>>) dst(%dma_wait3A_204 : memref<640x32xf32, #tpu.memory_space<hbm>>)
        tpu.yield
      }) : () -> ()
    } else {
    }
    %eq3A_194 = arith.constant 1 : i32
    %eq3A_195 = arith.cmpi eq, %arg0, %eq3A_194 : i32
    %convert_element_type3A_196 = arith.extui %eq3A_195 : i1 to i32
    %cond3A_197 = arith.constant 0 : i32
    %cond3A_198 = arith.cmpi ne, %convert_element_type3A_196, %cond3A_197 : i32
    scf.if %cond3A_198 {
      "tpu.region"() ({
        %run_scoped3A = tpu.sem_alloc : memref<!tpu.dma_semaphore, #tpu.memory_space<semaphore_mem>>
        %dma_start3A_199 = arith.constant 0 : i32
        %dma_start3A_200 = tpu.memref_slice %arg8[%mul3A_0, %dma_start3A_199] : memref<10240x32xf32, #tpu.memory_space<hbm>> -> memref<640x32xf32, #tpu.memory_space<hbm>>
        %dma_start3A_201 = arith.constant 0 : i32
        %dma_start3A_202 = tpu.memref_slice %arg15[%mul3A_0, %dma_start3A_201] : memref<10240x32xf32, #tpu.memory_space<vmem_shared>> -> memref<640x32xf32, #tpu.memory_space<vmem_shared>>
        tpu.enqueue_dma source(%dma_start3A_202 : memref<640x32xf32, #tpu.memory_space<vmem_shared>>) target(%dma_start3A_200 : memref<640x32xf32, #tpu.memory_space<hbm>>) target_semaphore(%run_scoped3A : memref<!tpu.dma_semaphore, #tpu.memory_space<semaphore_mem>>)
        %dma_wait3A_203 = arith.constant 0 : i32
        %dma_wait3A_204 = tpu.memref_slice %arg8[%mul3A_0, %dma_wait3A_203] : memref<10240x32xf32, #tpu.memory_space<hbm>> -> memref<640x32xf32, #tpu.memory_space<hbm>>
        %dma_wait3A_205 = arith.constant 0 : i32
        %dma_wait3A_206 = tpu.memref_slice %arg15[%mul3A_0, %dma_wait3A_205] : memref<10240x32xf32, #tpu.memory_space<vmem_shared>> -> memref<640x32xf32, #tpu.memory_space<vmem_shared>>
        tpu.wait_dma2 semaphore(%run_scoped3A : memref<!tpu.dma_semaphore, #tpu.memory_space<semaphore_mem>>) src(%dma_wait3A_206 : memref<640x32xf32, #tpu.memory_space<vmem_shared>>) dst(%dma_wait3A_204 : memref<640x32xf32, #tpu.memory_space<hbm>>)
        tpu.yield
      }) : () -> ()
    } else {
    }
    return
  }
}

module attributes {stable_mosaic.version = 14 : i64} {
  func.func @_scale_mm_body(%arg0: i32, %arg1: memref<1024x128xf32, #tpu.memory_space<vmem>>, %arg2: memref<128x64xf32, #tpu.memory_space<vmem>>, %arg3: memref<2x1024x1xf32, #tpu.memory_space<vmem>>, %arg4: memref<1024x32xf32, #tpu.memory_space<vmem>>, %arg5: memref<1024x32xf32, #tpu.memory_space<vmem>>, %arg6: memref<1024x1xf32, #tpu.memory_space<vmem>>) attributes {dimension_semantics = [#tpu.dimension_semantics<arbitrary>], iteration_bounds = array<i64: 10>, scalar_prefetch = 0 : i64, scratch_operands = 0 : i64, tpu.core_type = #tpu.core_type<tc>, window_params = [{transform_indices = @transform_0, window_bounds = array<i64: 1024, 128>}, {pipeline_mode = #tpu.pipeline_mode<synchronous>, transform_indices = @transform_1, window_bounds = array<i64: 128, 64>}, {transform_indices = @transform_2, window_bounds = array<i64: 2, 1024, 1>}, {transform_indices = @transform_3, window_bounds = array<i64: 1024, 32>}, {transform_indices = @transform_4, window_bounds = array<i64: 1024, 32>}, {transform_indices = @transform_5, window_bounds = array<i64: 1024, 1>}]} {
    %get3A = arith.constant 0 : index
    %get3A_0 = arith.constant 0 : index
    %get3A_1 = arith.constant 0 : index
    %get3A_2 = vector.load %arg3[%get3A, %get3A_0, %get3A_1] : memref<2x1024x1xf32, #tpu.memory_space<vmem>>, vector<1x1024x1xf32>
    %get3A_3 = vector.shape_cast %get3A_2 : vector<1x1024x1xf32> to vector<1024x1xf32>
    %get3A_4 = arith.constant 1 : index
    %get3A_5 = arith.constant 0 : index
    %get3A_6 = arith.constant 0 : index
    %get3A_7 = vector.load %arg3[%get3A_4, %get3A_5, %get3A_6] : memref<2x1024x1xf32, #tpu.memory_space<vmem>>, vector<1x1024x1xf32>
    %get3A_8 = vector.shape_cast %get3A_7 : vector<1x1024x1xf32> to vector<1024x1xf32>
    %add3A = arith.addf %get3A_3, %get3A_8 : vector<1024x1xf32>
    %add3A_9 = arith.constant 1.000000e+00 : f32
    %add3A_10 = vector.broadcast %add3A_9 : f32 to vector<1024x1xf32>
    %add3A_11 = arith.addf %add3A, %add3A_10 : vector<1024x1xf32>
    %sqrt3A = math.sqrt %add3A_11 : vector<1024x1xf32>
    %div3A = arith.constant 1.000000e+00 : f32
    %div3A_12 = vector.broadcast %div3A : f32 to vector<1024x1xf32>
    %div3A_13 = arith.divf %div3A_12, %sqrt3A : vector<1024x1xf32>
    %get3A_14 = arith.constant 0 : index
    %get3A_15 = arith.constant 0 : index
    %get3A_16 = vector.load %arg1[%get3A_14, %get3A_15] : memref<1024x128xf32, #tpu.memory_space<vmem>>, vector<1024x128xf32>
    %get3A_17 = arith.constant 0 : index
    %get3A_18 = arith.constant 0 : index
    %get3A_19 = vector.load %arg2[%get3A_17, %get3A_18] : memref<128x64xf32, #tpu.memory_space<vmem>>, vector<128x64xf32>
    %dot_general3A = arith.constant dense<0.000000e+00> : vector<1024x64xf32>
    %dot_general3A_20 = tpu.matmul %get3A_16, %get3A_19, %dot_general3A {dimension_numbers = #tpu.dot_dimension_numbers<[1], [0], [0], [1], [0, 0, 1, 1], [], []>, transpose_lhs_hint = false} : vector<1024x128xf32>, vector<128x64xf32>, vector<1024x64xf32> -> vector<1024x64xf32>
    %mul3A = vector.broadcast %div3A_13 : vector<1024x1xf32> to vector<1024x64xf32>
    %mul3A_21 = arith.mulf %dot_general3A_20, %mul3A : vector<1024x64xf32>
    %slice3A = vector.extract_strided_slice %mul3A_21 {offsets = [0, 0], sizes = [1024, 32], strides = [1, 1]} : vector<1024x64xf32> to vector<1024x32xf32>
    %swap3A = arith.constant 0 : index
    %swap3A_22 = arith.constant 0 : index
    %swap3A_23 = vector.load %arg4[%swap3A, %swap3A_22] : memref<1024x32xf32, #tpu.memory_space<vmem>>, vector<1024x32xf32>
    tpu.vector_store %arg4[%swap3A, %swap3A_22], %slice3A {strides = array<i32>} : memref<1024x32xf32, #tpu.memory_space<vmem>>, vector<1024x32xf32>,
    %slice3A_24 = vector.extract_strided_slice %mul3A_21 {offsets = [0, 32], sizes = [1024, 32], strides = [1, 1]} : vector<1024x64xf32> to vector<1024x32xf32>
    %swap3A_25 = arith.constant 0 : index
    %swap3A_26 = arith.constant 0 : index
    %swap3A_27 = vector.load %arg5[%swap3A_25, %swap3A_26] : memref<1024x32xf32, #tpu.memory_space<vmem>>, vector<1024x32xf32>
    tpu.vector_store %arg5[%swap3A_25, %swap3A_26], %slice3A_24 {strides = array<i32>} : memref<1024x32xf32, #tpu.memory_space<vmem>>, vector<1024x32xf32>,
    %swap3A_28 = arith.constant 0 : index
    %swap3A_29 = arith.constant 0 : index
    %swap3A_30 = vector.load %arg6[%swap3A_28, %swap3A_29] : memref<1024x1xf32, #tpu.memory_space<vmem>>, vector<1024x1xf32>
    tpu.vector_store %arg6[%swap3A_28, %swap3A_29], %div3A_13 {strides = array<i32>} : memref<1024x1xf32, #tpu.memory_space<vmem>>, vector<1024x1xf32>,
    return
  }
  func.func @transform_0(%arg0: i32) -> (i32, i32) {
    %c0_i32 = arith.constant 0 : i32
    %c0_i32_0 = arith.constant 0 : i32
    return %arg0, %c0_i32 : i32, i32
  }
  func.func @transform_1(%arg0: i32) -> (i32, i32) {
    %c0_i32 = arith.constant 0 : i32
    %c0_i32_0 = arith.constant 0 : i32
    %c0_i32_1 = arith.constant 0 : i32
    return %c0_i32, %c0_i32_0 : i32, i32
  }
  func.func @transform_2(%arg0: i32) -> (i32, i32, i32) {
    %c0_i32 = arith.constant 0 : i32
    %c0_i32_0 = arith.constant 0 : i32
    %c0_i32_1 = arith.constant 0 : i32
    return %c0_i32, %arg0, %c0_i32_0 : i32, i32, i32
  }
  func.func @transform_3(%arg0: i32) -> (i32, i32) {
    %c0_i32 = arith.constant 0 : i32
    %c0_i32_0 = arith.constant 0 : i32
    return %arg0, %c0_i32 : i32, i32
  }
  func.func @transform_4(%arg0: i32) -> (i32, i32) {
    %c0_i32 = arith.constant 0 : i32
    %c0_i32_0 = arith.constant 0 : i32
    return %arg0, %c0_i32 : i32, i32
  }
  func.func @transform_5(%arg0: i32) -> (i32, i32) {
    %c0_i32 = arith.constant 0 : i32
    %c0_i32_0 = arith.constant 0 : i32
    return %arg0, %c0_i32 : i32, i32
  }
}

module attributes {stable_mosaic.version = 14 : i64} {
  func.func @_layer2_body(%arg0: i32, %arg1: memref<1024x32xf32, #tpu.memory_space<vmem>>, %arg2: memref<1024x32xf32, #tpu.memory_space<vmem>>, %arg3: memref<1024x32xf32, #tpu.memory_space<vmem>>, %arg4: memref<1024x32xf32, #tpu.memory_space<vmem>>, %arg5: memref<1024x1xf32, #tpu.memory_space<vmem>>, %arg6: memref<1x64xf32, #tpu.memory_space<vmem>>, %arg7: memref<64x8xf32, #tpu.memory_space<vmem>>, %arg8: memref<1024x8xf32, #tpu.memory_space<vmem>>) attributes {dimension_semantics = [#tpu.dimension_semantics<arbitrary>], iteration_bounds = array<i64: 10>, scalar_prefetch = 0 : i64, scratch_operands = 0 : i64, tpu.core_type = #tpu.core_type<tc>, window_params = [{transform_indices = @transform_0, window_bounds = array<i64: 1024, 32>}, {transform_indices = @transform_1, window_bounds = array<i64: 1024, 32>}, {transform_indices = @transform_2, window_bounds = array<i64: 1024, 32>}, {transform_indices = @transform_3, window_bounds = array<i64: 1024, 32>}, {transform_indices = @transform_4, window_bounds = array<i64: 1024, 1>}, {pipeline_mode = #tpu.pipeline_mode<synchronous>, transform_indices = @transform_5, window_bounds = array<i64: 1, 64>}, {pipeline_mode = #tpu.pipeline_mode<synchronous>, transform_indices = @transform_6, window_bounds = array<i64: 64, 8>}, {transform_indices = @transform_7, window_bounds = array<i64: 1024, 8>}]} {
    %get3A = arith.constant 0 : index
    %get3A_0 = arith.constant 0 : index
    %get3A_1 = vector.load %arg5[%get3A, %get3A_0] : memref<1024x1xf32, #tpu.memory_space<vmem>>, vector<1024x1xf32>
    %get3A_2 = arith.constant 0 : index
    %get3A_3 = arith.constant 0 : index
    %get3A_4 = vector.load %arg1[%get3A_2, %get3A_3] : memref<1024x32xf32, #tpu.memory_space<vmem>>, vector<1024x32xf32>
    %get3A_5 = arith.constant 0 : index
    %get3A_6 = arith.constant 0 : index
    %get3A_7 = vector.load %arg3[%get3A_5, %get3A_6] : memref<1024x32xf32, #tpu.memory_space<vmem>>, vector<1024x32xf32>
    %add3A = arith.addf %get3A_4, %get3A_7 : vector<1024x32xf32>
    %get3A_8 = arith.constant 0 : index
    %get3A_9 = arith.constant 0 : index
    %get3A_10 = vector.load %arg2[%get3A_8, %get3A_9] : memref<1024x32xf32, #tpu.memory_space<vmem>>, vector<1024x32xf32>
    %get3A_11 = arith.constant 0 : index
    %get3A_12 = arith.constant 0 : index
    %get3A_13 = vector.load %arg4[%get3A_11, %get3A_12] : memref<1024x32xf32, #tpu.memory_space<vmem>>, vector<1024x32xf32>
    %add3A_14 = arith.addf %get3A_10, %get3A_13 : vector<1024x32xf32>
    %concatenate3A = tpu.concatenate %add3A, %add3A_14 in 1 : vector<1024x32xf32>, vector<1024x32xf32> -> vector<1024x64xf32>
    %mul3A = vector.broadcast %get3A_1 : vector<1024x1xf32> to vector<1024x64xf32>
    %mul3A_15 = arith.mulf %mul3A, %concatenate3A : vector<1024x64xf32>
    %get3A_16 = arith.constant 0 : index
    %get3A_17 = arith.constant 0 : index
    %get3A_18 = vector.load %arg6[%get3A_16, %get3A_17] : memref<1x64xf32, #tpu.memory_space<vmem>>, vector<1x64xf32>
    %add3A_19 = vector.broadcast %get3A_18 : vector<1x64xf32> to vector<1024x64xf32>
    %add3A_20 = arith.addf %mul3A_15, %add3A_19 : vector<1024x64xf32>
    %max3A = arith.constant 0.000000e+00 : f32
    %max3A_21 = vector.broadcast %max3A : f32 to vector<1024x64xf32>
    %max3A_22 = arith.maximumf %add3A_20, %max3A_21 : vector<1024x64xf32>
    %get3A_23 = arith.constant 0 : index
    %get3A_24 = arith.constant 0 : index
    %get3A_25 = vector.load %arg7[%get3A_23, %get3A_24] : memref<64x8xf32, #tpu.memory_space<vmem>>, vector<64x8xf32>
    %dot_general3A = arith.constant dense<0.000000e+00> : vector<1024x8xf32>
    %dot_general3A_26 = tpu.matmul %max3A_22, %get3A_25, %dot_general3A {dimension_numbers = #tpu.dot_dimension_numbers<[1], [0], [0], [1], [0, 0, 1, 1], [], []>, transpose_lhs_hint = false} : vector<1024x64xf32>, vector<64x8xf32>, vector<1024x8xf32> -> vector<1024x8xf32>
    %mul3A_27 = vector.broadcast %get3A_1 : vector<1024x1xf32> to vector<1024x8xf32>
    %mul3A_28 = arith.mulf %dot_general3A_26, %mul3A_27 : vector<1024x8xf32>
    %swap3A = arith.constant 0 : index
    %swap3A_29 = arith.constant 0 : index
    %swap3A_30 = vector.load %arg8[%swap3A, %swap3A_29] : memref<1024x8xf32, #tpu.memory_space<vmem>>, vector<1024x8xf32>
    tpu.vector_store %arg8[%swap3A, %swap3A_29], %mul3A_28 {strides = array<i32>} : memref<1024x8xf32, #tpu.memory_space<vmem>>, vector<1024x8xf32>,
    return
  }
  func.func @transform_0(%arg0: i32) -> (i32, i32) {
    %c0_i32 = arith.constant 0 : i32
    %c0_i32_0 = arith.constant 0 : i32
    return %arg0, %c0_i32 : i32, i32
  }
  func.func @transform_1(%arg0: i32) -> (i32, i32) {
    %c0_i32 = arith.constant 0 : i32
    %c0_i32_0 = arith.constant 0 : i32
    return %arg0, %c0_i32 : i32, i32
  }
  func.func @transform_2(%arg0: i32) -> (i32, i32) {
    %c0_i32 = arith.constant 0 : i32
    %c0_i32_0 = arith.constant 0 : i32
    return %arg0, %c0_i32 : i32, i32
  }
  func.func @transform_3(%arg0: i32) -> (i32, i32) {
    %c0_i32 = arith.constant 0 : i32
    %c0_i32_0 = arith.constant 0 : i32
    return %arg0, %c0_i32 : i32, i32
  }
  func.func @transform_4(%arg0: i32) -> (i32, i32) {
    %c0_i32 = arith.constant 0 : i32
    %c0_i32_0 = arith.constant 0 : i32
    return %arg0, %c0_i32 : i32, i32
  }
  func.func @transform_5(%arg0: i32) -> (i32, i32) {
    %c0_i32 = arith.constant 0 : i32
    %c0_i32_0 = arith.constant 0 : i32
    %c0_i32_1 = arith.constant 0 : i32
    return %c0_i32, %c0_i32_0 : i32, i32
  }
  func.func @transform_6(%arg0: i32) -> (i32, i32) {
    %c0_i32 = arith.constant 0 : i32
    %c0_i32_0 = arith.constant 0 : i32
    %c0_i32_1 = arith.constant 0 : i32
    return %c0_i32, %c0_i32_0 : i32, i32
  }
  func.func @transform_7(%arg0: i32) -> (i32, i32) {
    %c0_i32 = arith.constant 0 : i32
    %c0_i32_0 = arith.constant 0 : i32
    return %arg0, %c0_i32 : i32, i32
  }
}

module attributes {stable_mosaic.version = 14 : i64} {
  func.func @_final_body(%arg0: memref<2x10240x8xf32, #tpu.memory_space<vmem>>, %arg1: memref<10240x8xf32, #tpu.memory_space<vmem>>, %arg2: memref<10240x1xf32, #tpu.memory_space<vmem>>, %arg3: memref<1x8xf32, #tpu.memory_space<vmem>>, %arg4: memref<10240x8xf32, #tpu.memory_space<vmem>>) attributes {dimension_semantics = [], scalar_prefetch = 0 : i64, scratch_operands = 0 : i64, tpu.core_type = #tpu.core_type<tc>} {
    %get3A = arith.constant 0 : index
    %get3A_0 = arith.constant 0 : index
    %get3A_1 = vector.load %arg2[%get3A, %get3A_0] : memref<10240x1xf32, #tpu.memory_space<vmem>>, vector<10240x1xf32>
    %get3A_2 = arith.constant 0 : index
    %get3A_3 = arith.constant 0 : index
    %get3A_4 = arith.constant 0 : index
    %get3A_5 = vector.load %arg0[%get3A_2, %get3A_3, %get3A_4] : memref<2x10240x8xf32, #tpu.memory_space<vmem>>, vector<1x10240x8xf32>
    %get3A_6 = vector.shape_cast %get3A_5 : vector<1x10240x8xf32> to vector<10240x8xf32>
    %get3A_7 = arith.constant 1 : index
    %get3A_8 = arith.constant 0 : index
    %get3A_9 = arith.constant 0 : index
    %get3A_10 = vector.load %arg0[%get3A_7, %get3A_8, %get3A_9] : memref<2x10240x8xf32, #tpu.memory_space<vmem>>, vector<1x10240x8xf32>
    %get3A_11 = vector.shape_cast %get3A_10 : vector<1x10240x8xf32> to vector<10240x8xf32>
    %add3A = arith.addf %get3A_6, %get3A_11 : vector<10240x8xf32>
    %get3A_12 = arith.constant 0 : index
    %get3A_13 = arith.constant 0 : index
    %get3A_14 = vector.load %arg1[%get3A_12, %get3A_13] : memref<10240x8xf32, #tpu.memory_space<vmem>>, vector<10240x8xf32>
    %add3A_15 = arith.addf %add3A, %get3A_14 : vector<10240x8xf32>
    %mul3A = vector.broadcast %get3A_1 : vector<10240x1xf32> to vector<10240x8xf32>
    %mul3A_16 = arith.mulf %mul3A, %add3A_15 : vector<10240x8xf32>
    %get3A_17 = arith.constant 0 : index
    %get3A_18 = arith.constant 0 : index
    %get3A_19 = vector.load %arg3[%get3A_17, %get3A_18] : memref<1x8xf32, #tpu.memory_space<vmem>>, vector<1x8xf32>
    %add3A_20 = vector.broadcast %get3A_19 : vector<1x8xf32> to vector<10240x8xf32>
    %add3A_21 = arith.addf %mul3A_16, %add3A_20 : vector<10240x8xf32>
    %swap3A = arith.constant 0 : index
    %swap3A_22 = arith.constant 0 : index
    %swap3A_23 = vector.load %arg4[%swap3A, %swap3A_22] : memref<10240x8xf32, #tpu.memory_space<vmem>>, vector<10240x8xf32>
    tpu.vector_store %arg4[%swap3A, %swap3A_22], %add3A_21 {strides = array<i32>} : memref<10240x8xf32, #tpu.memory_space<vmem>>, vector<10240x8xf32>,
    return
  }
}

</mosaic_0001>

<sc_bundles>
// kernel: kernel.11.cloned.1.call-start
scs
__scs_entry_jumppad:
0x0: {  	(pc) =	sbr.rel $0x88, $3  }
0x1: {  	(tag) =	ssettag $0x0;
	lr =	simm.s32 $0x1  }
0x2: {  	[smem:$0x3F9B] =	sst lr;
	_ =	strace $0xD0000000  }
0x3: {  	_ = 	snop  }
0x4: {  	_ = 	snop  }
0x5: {  	_ = 	snop  }
0x6: {  	_ = 	snop  }
0x7: {  	_ = 	snop  }
__scs_overlays_trampoline_lowered:
0x8: {  	[smem:$0x3FAA] =	sst s0  }
0x9: {  	[smem:$0x3FAB] =	sst s1  }
0xa: {  	[smem:$0x3FAC] =	sst s2  }
0xb: {  	[smem:$0x3FAD] =	sst s3  }
0xc: {  	[smem:$0x3FAE] =	sst s4  }
0xd: {  	[smem:$0x3FAF] =	sst s5  }
0xe: {  	[smem:$0x3FB0] =	sst s6  }
0xf: {  	[smem:$0x3FB1] =	sst s7  }
0x10: {  	[smem:$0x3FB2] =	sst s8  }
0x11: {  	[smem:$0x3FB3] =	sst s9;
	s0 =	simm.s32 @!p0 $0x0  }
0x12: {  	s1 =	sld [smem:$0x3F99];
	s0 =	simm.s32 @p0 $0x1  }
0x13: {  	[smem:$0x3FB4] =	sst s0;
	s0 =	simm.s32 @!p1 $0x0  }
0x14: {  	s2 =	sld [smem:$0x3F98];
	s0 =	simm.s32 @p1 $0x1  }
0x15: {  	[smem:$0x3FB5] =	sst s0;
	s0 =	simm.s32 @!p2 $0x0  }
0x16: {  	s3 =	sld [smem:$0x3FDB];
	s0 =	simm.s32 @p2 $0x1  }
0x17: {  	s4 =	simm.s32 $0x1BF5;
	[smem:$0x3FB7] =	sst s0  }
0x18: {  	s0 =	sld [smem:$0x3F9A];
	_ =	swait.ge [sflag:s4], $0x0  }
0x19: {  	s7 =	sld [smem:$0x3F9B]  }
0x1a: {  	s8 =	sadd.s32 $0xFFFFE003, lr  }
0x1b: {  	s9 =	sadd.s32 $0xFFFFFEF7, lr;
	s5 =	simm.s32 $0xFFFFFFFF;
	p2 =	slt.u32 s8, $0xFFFFF086  }
0x1c: {  	p1 =	slt.u32 s9, $0xF7A;
	s5 =	simm.s32 @!p2 $0x0  }
0x1d: {  	s5 =	simm.s32 @p1 $0x1;
	p0 =	seq.s32 s7, s2  }
0x1e: {  	s7 =	smul.u32 @!p0 $0xF7A, s2;
	p2 =	seq.s32 @!p0 s5, $0x0  }
0x1f: {  	s9 =	smul.u32 $0xF7A, s1;
	s8 =	simm.s32 @!p0 $0x1BF5;
	p2 =	por !p2, p0  }
0x20: {  	[sflag:s8] =	ssyncset.s32 @!p0 $0xFFFFF086;
	s6 =	sadd.s32 @!p0 s3, s7;
	s7 =	simm.s32 @!p0 $0x108  }
0x21: {  	s3 =	sadd.s32 s3, s9;
	s6 =	sadd.s32 @!p0 $0x88, s6;
	s7 =	simm.s32 @p2 $0x1082  }
0x22: {  	[simem:s7], [sflag:s8] =	dma.local @!p0 [hbm:s6], $0xF7A  }
0x23: {  	s9 =	sor.u32 $0xD0000000, s2;
	s6 =	simm.s32 $0x108;
	_ =	swait.ge @!p0 [sflag:s8], $0x0  }
0x24: {  	s3 =	sadd.s32 $0x88, s3;
	s6 =	simm.s32 @!p1 $0x1082;
	[sflag:s4] =	ssyncset.s32 $0xFFFFF086  }
0x25: {  	[simem:s6], [sflag:s4] =	dma.local [hbm:s3], $0xF7A  }
0x26: {  	[smem:$0x3F9B] =	sst s1;
	(tag) =	ssettag s2;
	_ =	strace s9  }
0x27: {  	s1 =	sld [smem:$0x3FAB]  }
0x28: {  	s2 =	sld [smem:$0x3FAC]  }
0x29: {  	s4 =	sld [smem:$0x3FAE]  }
0x2a: {  	p0 =	seq.s32 s5, $0x0;
	s5 =	sld [smem:$0x3FAF]  }
0x2b: {  	s6 =	sld [smem:$0x3FB0]  }
0x2c: {  	s7 =	sld [smem:$0x3FB1]  }
0x2d: {  	s3 =	simm.s32 $0x108;
	s8 =	sld [smem:$0x3FB2]  }
0x2e: {  	s3 =	simm.s32 @!p0 $0x1082;
	s9 =	sld [smem:$0x3FB3]  }
0x2f: {  	lr =	sadd.s32 s0, s3;
	s0 =	sld [smem:$0x3FAA]  }
0x30: {  	s3 =	sld [smem:$0x3FAD]  }
0x31: {  	[smem:$0x3FB6] =	sst s10  }
0x32: {  	s10 =	sld [smem:$0x3FB4];
	_ =	sdelay $0x3  }
0x33: {  	p0 =	seq.s32 s10, $0x1;
	s10 =	sld [smem:$0x3FB6];
	_ =	sdelay $0x3  }
0x34: {  	[smem:$0x3FB6] =	sst s10  }
0x35: {  	s10 =	sld [smem:$0x3FB5];
	_ =	sdelay $0x3  }
0x36: {  	p1 =	seq.s32 s10, $0x1;
	s10 =	sld [smem:$0x3FB6];
	_ =	sdelay $0x3  }
0x37: {  	[smem:$0x3FB6] =	sst s10  }
0x38: {  	s10 =	sld [smem:$0x3FB7]  }
0x39: {  	_ = 	snop;
	(pc) =	sbr.ind lr, $3  }
0x3a: {  	_ = 	snop  }
0x3b: {  	_ = 	snop  }
0x3c: {  	p2 =	seq.s32 s10, $0x1;
	s10 =	sld [smem:$0x3FB6]  }
0x3d: {  	_ =	shalt  }
0x3e: {  	_ =	shalt  }
0x3f: {  	_ =	shalt  }
0x40: {  	_ =	shalt  }
0x41: {  	_ =	shalt  }
0x42: {  	_ =	shalt  }
0x43: {  	_ =	shalt  }
0x44: {  	_ =	shalt  }
0x45: {  	_ =	shalt  }
0x46: {  	_ =	shalt  }
0x47: {  	_ =	shalt  }
0x48: {  	_ =	shalt  }
0x49: {  	_ =	shalt  }
0x4a: {  	_ =	shalt  }
0x4b: {  	_ =	shalt  }
0x4c: {  	_ =	shalt  }
0x4d: {  	_ =	shalt  }
0x4e: {  	_ =	shalt  }
0x4f: {  	_ =	shalt  }
0x50: {  	_ =	shalt  }
0x51: {  	_ =	shalt  }
0x52: {  	_ =	shalt  }
0x53: {  	_ =	shalt  }
0x54: {  	_ =	shalt  }
0x55: {  	_ =	shalt  }
0x56: {  	_ =	shalt  }
0x57: {  	_ =	shalt  }
0x58: {  	_ =	shalt  }
0x59: {  	_ =	shalt  }
0x5a: {  	_ =	shalt  }
0x5b: {  	_ =	shalt  }
0x5c: {  	_ =	shalt  }
0x5d: {  	_ =	shalt  }
0x5e: {  	_ =	shalt  }
0x5f: {  	_ =	shalt  }
0x60: {  	_ =	shalt  }
0x61: {  	_ =	shalt  }
0x62: {  	_ =	shalt  }
0x63: {  	_ =	shalt  }
0x64: {  	_ =	shalt  }
0x65: {  	_ =	shalt  }
0x66: {  	_ =	shalt  }
0x67: {  	_ =	shalt  }
0x68: {  	_ =	shalt  }
0x69: {  	_ =	shalt  }
0x6a: {  	_ =	shalt  }
0x6b: {  	_ =	shalt  }
0x6c: {  	_ =	shalt  }
0x6d: {  	_ =	shalt  }
0x6e: {  	_ =	shalt  }
0x6f: {  	_ =	shalt  }
0x70: {  	_ =	shalt  }
0x71: {  	_ =	shalt  }
0x72: {  	_ =	shalt  }
0x73: {  	_ =	shalt  }
0x74: {  	_ =	shalt  }
0x75: {  	_ =	shalt  }
0x76: {  	_ =	shalt  }
0x77: {  	_ =	shalt  }
0x78: {  	_ =	shalt  }
0x79: {  	_ =	shalt  }
0x7a: {  	_ =	shalt  }
0x7b: {  	_ =	shalt  }
0x7c: {  	_ =	shalt  }
0x7d: {  	_ =	shalt  }
0x7e: {  	_ =	shalt  }
0x7f: {  	_ =	shalt  }
0x80: {  	_ =	shalt  }
0x81: {  	_ =	shalt  }
0x82: {  	_ =	shalt  }
0x83: {  	_ =	shalt  }
0x84: {  	_ =	shalt  }
0x85: {  	_ =	shalt  }
0x86: {  	_ =	shalt  }
0x87: {  	_ =	shalt  }
.Lfunc_end0:
.L_simem_size_0:
called_computation.1_lowered:
.L_overlay_start_0:
0x88: {  	s2 =	sld [smem:$0x3FD9]  }
0x89: {  	s3 =	sld [smem:$0x3FFE];
	_ =	sdelay $0x1  }
0x8a: {  	s1 =	srdreg.scid  }
0x8b: {  	s0 =	sand.u32 $0x1, s1  }
0x8c: {  	s17 =	sshll.u32 s0, $0xA;
	s2 =	sadd.s32 s3, s2  }
0x8d: {  	s2 =	sadd.s32 s2, s17  }
0x8e: {  	[smem:$0x3FC2] =	sst s2  }
0x8f: {  	_ = 	snop  }
0x90: {  	s2 =	sld [smem:$0x3FD0];
	(tm) =	ssettm $0x1  }
0x91: {  	s18 =	sld [smem:$0x3FFB];
	_ =	sdelay $0x3  }
0x92: {  	_ =	strace s18  }
0x93: {  	s3 =	sld [smem:$0x3FFC];
	_ =	sdelay $0x3  }
0x94: {  	_ =	strace s3  }
0x95: {  	s3 =	sld [smem:$0x3FFD];
	_ =	sdelay $0x3  }
0x96: {  	_ =	strace s3  }
0x97: {  	_ =	strace $0x8FFFFFFF  }
0x98: {  	s19 =	sld [smem:$0x3FDB];
	_ =	sdelay $0x1  }
0x99: {  	s4 =	simm.s32 $_scs_section_size  }
0x9a: {  	s5 =	simm.s32 $_size__tile_overlayer_lowered;
	s6 =	simm.s32 $_tile_overlayer_lowered  }
0x9b: {  	s22 =	simm.s32 $0x1BFF;
	s21 =	sshll.u32 s6, $0x1;
	s3 =	sadd.s32 s4, s19  }
0x9c: {  	s7 =	simm.s32 $0x0;
	s20 =	sshll.u32 s5, $0x1;
	s5 =	sadd.s32 s21, s3  }
0x9d: {  	[timem:s7], [sflag:s22] =	dma.local [hbm:s5], s20  }
0x9e: {  	_ =	swait.ge [sflag:s22], s20  }
0x9f: {  	s4 =	ssub.s32 $0x0, s20;
	[sflag:s22] =	ssyncset.done $0x0  }
0xa0: {  	[sflag:s22] =	ssyncadd.s32 s4;
	_ =	sdelay $0x1  }
0xa1: {  	s23 =	simm.s32 $0x1B8B  }
0xa2: {  	_ =	swait.ge [sflag:s23], $0x1  }
0xa3: {  	[sflag:s23] =	ssyncset.done $0x0  }
0xa4: {  	s25 =	simm.s32 $0x1B8E;
	s24 =	sld [smem:$0x3FFE];
	[sflag:s23] =	ssyncadd.s32 $0xFFFFFFFF  }
0xa5: {  	s26 =	simm.s32 $execute0_lowered;
	[smem:$0x3FD2] =	sst s25  }
0xa6: {  	s5 =	sshll.u32 s26, $0x1;
	_ =	strace $0x80000049;
	[dreg:$0x1] =	wrdreg $0xFFFFFFFF  }
0xa7: {  	s28 =	simm.s32 $_size_execute0_lowered;
	s3 =	sadd.s32 s3, s5;
	[dreg:$0x0] =	wrdreg $0x0  }
0xa8: {  	s5 =	sshll.u32 s28, $0x1;
	[dreg:$0x2] =	wrdreg s3  }
0xa9: {  	[dreg:$0x3] =	wrdreg s5  }
0xaa: {  	[dreg:$0x4] =	wrdreg $0xC0  }
0xab: {  	_ =	task [dreg:s7], $0x5FFFF  }
0xac: {  	[dreg:$0x1] =	wrdreg $0xFFFFFFFF  }
0xad: {  	[dreg:$0x0] =	wrdreg $0x60  }
0xae: {  	[dreg:$0x2] =	wrdreg s24  }
0xaf: {  	[dreg:$0x3] =	wrdreg s2  }
0xb0: {  	[dreg:$0x4] =	wrdreg $0xE0000  }
0xb1: {  	[dreg:$0x5] =	wrdreg $0x130000  }
0xb2: {  	[dreg:$0x6] =	wrdreg $0x9  }
0xb3: {  	_ =	task.clear_ibuf [dreg:s7], $0x7FFFF;
	_ =	strace $0x90000049  }
0xb4: {  	s29 =	simm.s32 $0x9;
	_ =	strace $0x8000004B  }
0xb5: {  	_ =	swait.ge [sflag:s29], $0x1  }
0xb6: {  	[sflag:s29] =	ssyncadd.s32 $0xFFFFFFFF  }
0xb7: {  	_ =	strace $0x9000004B  }
0xb8: {  	_ =	sfence  }
0xb9: {  	s30 =	sld [smem:$0x0];
	_ =	sdelay $0x2  }
0xba: {  	s31 =	sshll.u32 s1, $0xD;
	s1 =	sshrl.u32 s1, $0x2  }
0xbb: {  	s3 =	sand.u32 $0x4000, s31;
	s1 =	sadd.s32 s1, s30  }
0xbc: {  	s0 =	sor.u32 s3, s0;
	s1 =	sshll.u32 s1, $0x11  }
0xbd: {  	s0 =	sor.u32 s1, s0  }
0xbe: {  	s0 =	sadd.s32 $0x8F2B, s0  }
0xbf: {  	[sflag:s0] =	ssyncadd.remote.s32 $0x1  }
0xc0: {  	_ =	sfence.sel $0xFFFF  }
0xc1: {  	[dreg:$0x0] =	wrdreg $0xFFFFFFFF;
	(pc) =	sbr.abs _section_cstart, $3  }
0xc2: {  	[dreg:$0x1] =	wrdreg $0xFFFFFFFF  }
0xc3: {  	_ =	task.clear_ibuf [dreg:s7], $0x2FFFF;
	_ =	strace $0x9FFFFFFF  }
0xc4: {  	(tm) =	ssettm $0x7FFFFFFF  }
0xc5: {  	_ =	shalt  }
tec
execute0_lowered:
.L_overlay_start_1:
0x0: {  	(tag) =	ssettag $0x1  }
0x1: {  	s0 =	rddreg [dreg:$0x0]  }
0x2: {  	s2 =	rddreg [dreg:$0x1]  }
0x3: {  	s3 =	rddreg [dreg:$0x2]  }
0x4: {  	s4 =	rddreg [dreg:$0x3];
	s14 =	stileid.u32;
	s5 =	simm.s32 $0x0  }
0x5: {  	s6 =	srdreg.scid;
	s21 =	simm.s32 $0x1;
	s28 =	simm.s32 $0xB000  }
0x6: {  	s30 =	simm.s32 $0xC000;
	s29 =	simm.s32 $0x7;
	s31 =	simm.s32 $0x8  }
0x7: {  	s1 =	smul.u32 $0xA00, s14;
	[smem:$0x7FF] =	sst s5;
	s8 =	sadd.s32 $0x70E00, s0  }
0x8: {  	s9 =	sadd.s32 $0x66E00, s0;
	s6 =	sand.u32 $0x1, s6;
	s11 =	smul.u32 $0x14000, s14  }
0x9: {  	s10 =	sadd.s32 $0x84E00, s0;
	s13 =	smul.u32 $0x5000, s14;
	s18 =	sshll.u32 s14, $0x6  }
0xa: {  	_ =	strace $0x8000004A;
	s7 =	ssub.s32 $0x2, s6;
	p0 =	seq.s32 s6, $0x0  }
0xb: {  	s6 =	simm.s32 $0x0;
	s1 =	sadd.s32 s1, s0;
	s0 =	sadd.s32 $0x7AE00, s0  }
0xc: {  	s12 =	sshrl.u32 s7, $0x1;
	s11 =	sshrl.u32 s11, $0x2;
	s22 =	sadd.s32 s13, s3  }
0xd: {  	s23 =	sadd.s32 s13, s4;
	s24 =	sshrl.u32 s13, $0x3;
	s9 =	smov.u32 @p0 s8  }
0xe: {  	s12 =	ssub.s32 s7, s12;
	s7 =	sor.u32 $0x1C01, s18;
	s11 =	sadd.s32 s11, s3  }
0xf: {  	s19 =	sadd.s32 $0xCE00, s1;
	s1 =	sadd.s32 $0x2200, s1;
	s0 =	smov.u32 @p0 s10  }
0x10: {  	s8 =	sadd.s32 s9, s24;
	s13 =	sshrl.u32 s22, $0x3;
	s20 =	sshrl.u32 s23, $0x3  }
0x11: {  	s22 =	simm.s32 $0x2;
	s23 =	simm.s32 $0x3;
	s9 =	simm.s32 $0xA  }
0x12: {  	s10 =	simm.s32 $0xB;
	s15 =	sadd.s32 $0x1000, s11;
	[dreg:$0x5] =	wrdreg s19  }
0x13: {  	s16 =	sadd.s32 $0x2000, s11;
	s17 =	sadd.s32 $0x3000, s11;
	[dreg:$0x6] =	wrdreg s1  }
0x14: {  	s11 =	sadd.s32 $0x4000, s11;
	s12 =	smax.u32 s12, $0x1;
	[dreg:$0x8] =	wrdreg s8  }
0x15: {  	s0 =	sadd.s32 s0, s24;
	s19 =	sor.u32 $0x1C02, s18;
	s24 =	simm.s32 $0x4  }
0x16: {  	s1 =	simm.s32 $0x5;
	s8 =	simm.s32 $0x9;
	[dreg:$0x7] =	wrdreg s12  }
0x17: {  	[dreg:$0x9] =	wrdreg s0;
	s25 =	sshrl.u32 s15, $0x3;
	s26 =	sshrl.u32 s16, $0x3  }
0x18: {  	s16 =	sshrl.u32 s17, $0x3;
	s17 =	sshrl.u32 s11, $0x3;
	s15 =	smov.u32 s18  }
0x19: {  	s0 =	simm.s32 $0xD000;
	s18 =	simm.s32 $0x6;
	[dreg:$0xa] =	wrdreg s25  }
0x1a: {  	[dreg:$0xb] =	wrdreg s26;
	s25 =	simm.s32 $0x80;
	s26 =	simm.s32 $0xA000  }
.LBB2_1:
0x1b: {  	[spmem:s13], [sflag:s7] =	dma.local [hbm:s2], $0x200  }
0x1c: {  	s11 =	rddreg [dreg:$0xa]  }
0x1d: {  	[spmem:s11], [sflag:s7] =	dma.local [hbm:s2], $0x200  }
0x1e: {  	s11 =	rddreg [dreg:$0xb]  }
0x1f: {  	[spmem:s11], [sflag:s7] =	dma.local [hbm:s2], $0x200  }
0x20: {  	[spmem:s16], [sflag:s7] =	dma.local [hbm:s2], $0x200  }
0x21: {  	[spmem:s17], [sflag:s7] =	dma.local [hbm:s2], $0x200  }
0x22: {  	s12 =	rddreg [dreg:$0x5]  }
0x23: {  	[tilespmem:s5], [sflag:$0x3] =	stream.linear.gather [hbm4b:s12+s5], $0x5000, $0x38;
	[tilespmem:$0x18000] =	vst v63  }
0x24: {  	s14 =	rddreg [dreg:$0x6];
	s12 =	simm.s32 $0x5000  }
0x25: {  	[tilespmem:s12], [sflag:$0x4] =	stream.linear.gather [hbm4b:s14+s5], $0x5000, $0x38;
	[tilespmem:$0x18000] =	vst v63  }
0x26: {  	s12 =	rddreg [dreg:$0x8]  }
0x27: {  	[spmem:s20], [sflag:s19] =	dma.local [hbm:s12], $0xA00  }
0x28: {  	_ =	swait.ge [sflag:s21], $0x200  }
0x29: {  	[sflag:s21] =	ssyncset.done $0x0  }
0x2a: {  	[sflag:s21] =	ssyncadd.s32 $0xFFFFFE00  }
0x2b: {  	_ =	swait.ge [sflag:s21], $0x200  }
0x2c: {  	[sflag:s21] =	ssyncset.done $0x0  }
0x2d: {  	[sflag:s21] =	ssyncadd.s32 $0xFFFFFE00  }
0x2e: {  	_ =	swait.ge [sflag:s21], $0x200  }
0x2f: {  	[sflag:s21] =	ssyncset.done $0x0  }
0x30: {  	[sflag:s21] =	ssyncadd.s32 $0xFFFFFE00  }
0x31: {  	_ =	swait.ge [sflag:s21], $0x200  }
0x32: {  	[sflag:s21] =	ssyncset.done $0x0  }
0x33: {  	[sflag:s21] =	ssyncadd.s32 $0xFFFFFE00  }
0x34: {  	_ =	swait.ge [sflag:s21], $0x200  }
0x35: {  	[sflag:s21] =	ssyncset.done $0x0  }
0x36: {  	[sflag:s21] =	ssyncadd.s32 $0xFFFFFE00  }
0x37: {  	_ =	swait.ge [sflag:s22], $0xA00  }
0x38: {  	[sflag:s22] =	ssyncset.done $0x0  }
0x39: {  	[sflag:s22] =	ssyncadd.s32 $0xFFFFF600  }
0x3a: {  	_ =	swait.ge [sflag:s23], $0x5000  }
0x3b: {  	[sflag:s23] =	ssyncset.done $0x0  }
0x3c: {  	[sflag:s23] =	ssyncadd.s32 $0xFFFFB000  }
0x3d: {  	_ =	swait.ge [sflag:s24], $0x5000  }
0x3e: {  	[sflag:s24] =	ssyncset.done $0x0  }
0x3f: {  	[sflag:s24] =	ssyncadd.s32 $0xFFFFB000  }
0x40: {  	[bflag:$0x0] =	sbarrier.arrive $0xFFFF  }
0x41: {  	[tilespmem:s26], [sflag:$0x3] =	stream.indirect.gather [spmem:s4], $0x20, s5, s25, $0xb8;
	[tilespmem:$0x18000] =	vst v63  }
0x42: {  	_ = 	snop  }
0x43: {  	[tilespmem:s28], [sflag:$0x4] =	stream.indirect.gather [spmem:s4], $0x20, s25, s25, $0xb8;
	[tilespmem:$0x18000] =	vst v63  }
0x44: {  	s14 =	simm.s32 $0x100  }
0x45: {  	[tilespmem:s30], [sflag:$0x5] =	stream.indirect.gather [spmem:s4], $0x20, s14, s25, $0xb8;
	[tilespmem:$0x18000] =	vst v63  }
0x46: {  	s12 =	simm.s32 $0x180  }
0x47: {  	[tilespmem:s0], [sflag:$0x6] =	stream.indirect.gather [spmem:s4], $0x20, s12, s25, $0xb8;
	[tilespmem:$0x18000] =	vst v63  }
0x48: {  	_ =	swait.ge [sflag:s23], $0x1000  }
0x49: {  	[sflag:s23] =	ssyncset.done $0x0  }
0x4a: {  	s14 =	simm.s32 $0x5000;
	[sflag:s23] =	ssyncadd.s32 $0xFFFFF000  }
0x4b: {  	[spmem:s3] =	stream.indirect.scatter.add.f32 [tilespmem:s26], [sflag:$0x7], $0x20, s14, s25, $0xb8;
	[tilespmem:$0x18000] =	vst v63  }
0x4c: {  	_ =	swait.ge [sflag:s24], $0x1000  }
0x4d: {  	[sflag:s24] =	ssyncset.done $0x0  }
0x4e: {  	s12 =	simm.s32 $0x5080;
	[sflag:s24] =	ssyncadd.s32 $0xFFFFF000  }
0x4f: {  	[spmem:s3] =	stream.indirect.scatter.add.f32 [tilespmem:s28], [sflag:$0x8], $0x20, s12, s25, $0xb8;
	[tilespmem:$0x18000] =	vst v63  }
0x50: {  	_ =	swait.ge [sflag:s1], $0x1000  }
0x51: {  	[sflag:s1] =	ssyncset.done $0x0  }
0x52: {  	s14 =	simm.s32 $0x5100;
	[sflag:s1] =	ssyncadd.s32 $0xFFFFF000  }
0x53: {  	[spmem:s3] =	stream.indirect.scatter.add.f32 [tilespmem:s30], [sflag:$0x9], $0x20, s14, s25, $0xb8;
	[tilespmem:$0x18000] =	vst v63  }
0x54: {  	_ =	swait.ge [sflag:s18], $0x1000  }
0x55: {  	[sflag:s18] =	ssyncset.done $0x0  }
0x56: {  	s12 =	simm.s32 $0x5180;
	[sflag:s18] =	ssyncadd.s32 $0xFFFFF000  }
0x57: {  	[spmem:s3] =	stream.indirect.scatter.add.f32 [tilespmem:s0], [sflag:$0xA], $0x20, s12, s25, $0xb8;
	[tilespmem:$0x18000] =	vst v63  }
0x58: {  	_ =	swait.ge [sflag:s29], $0x1000  }
0x59: {  	[sflag:s29] =	ssyncset.done $0x0  }
0x5a: {  	s14 =	simm.s32 $0x200;
	[sflag:s29] =	ssyncadd.s32 $0xFFFFF000  }
0x5b: {  	[tilespmem:s26], [sflag:$0x3] =	stream.indirect.gather [spmem:s4], $0x20, s14, s25, $0xb8;
	[tilespmem:$0x18000] =	vst v63  }
0x5c: {  	_ =	swait.ge [sflag:s31], $0x1000  }
0x5d: {  	[sflag:s31] =	ssyncset.done $0x0  }
0x5e: {  	s12 =	simm.s32 $0x280;
	[sflag:s31] =	ssyncadd.s32 $0xFFFFF000  }
0x5f: {  	[tilespmem:s28], [sflag:$0x4] =	stream.indirect.gather [spmem:s4], $0x20, s12, s25, $0xb8;
	[tilespmem:$0x18000] =	vst v63  }
0x60: {  	_ =	swait.ge [sflag:s8], $0x1000  }
0x61: {  	[sflag:s8] =	ssyncset.done $0x0  }
0x62: {  	s14 =	simm.s32 $0x300;
	[sflag:s8] =	ssyncadd.s32 $0xFFFFF000  }
0x63: {  	[tilespmem:s30], [sflag:$0x5] =	stream.indirect.gather [spmem:s4], $0x20, s14, s25, $0xb8;
	[tilespmem:$0x18000] =	vst v63  }
0x64: {  	_ =	swait.ge [sflag:s9], $0x1000  }
0x65: {  	[sflag:s9] =	ssyncset.done $0x0  }
0x66: {  	s11 =	simm.s32 $0x800;
	s12 =	simm.s32 $0x380;
	[sflag:s9] =	ssyncadd.s32 $0xFFFFF000  }
.LBB2_2:
0x67: {  	[tilespmem:s0], [sflag:$0x6] =	stream.indirect.gather [spmem:s4], $0x20, s12, s25, $0xb8;
	[tilespmem:$0x18000] =	vst v63  }
0x68: {  	s12 =	smov.u32 s11  }
0x69: {  	p0 =	sne.s32 s11, $0x13000;
	s11 =	sadd.s32 $0x800, s11;
	_ =	swait.ge [sflag:s23], $0x1000  }
0x6a: {  	s12 =	sshra.s32 s12, $0x2;
	[sflag:s23] =	ssyncset.done $0x0  }
0x6b: {  	s14 =	sadd.s32 $0x5000, s12;
	[sflag:s23] =	ssyncadd.s32 $0xFFFFF000  }
0x6c: {  	[spmem:s3] =	stream.indirect.scatter.add.f32 [tilespmem:s26], [sflag:$0x7], $0x20, s14, s25, $0xb8;
	[tilespmem:$0x18000] =	vst v63  }
0x6d: {  	_ =	swait.ge [sflag:s24], $0x1000  }
0x6e: {  	[sflag:s24] =	ssyncset.done $0x0  }
0x6f: {  	s14 =	sadd.s32 $0x5080, s12;
	[sflag:s24] =	ssyncadd.s32 $0xFFFFF000  }
0x70: {  	[spmem:s3] =	stream.indirect.scatter.add.f32 [tilespmem:s28], [sflag:$0x8], $0x20, s14, s25, $0xb8;
	[tilespmem:$0x18000] =	vst v63  }
0x71: {  	_ =	swait.ge [sflag:s1], $0x1000  }
0x72: {  	[sflag:s1] =	ssyncset.done $0x0  }
0x73: {  	s14 =	sadd.s32 $0x5100, s12;
	[sflag:s1] =	ssyncadd.s32 $0xFFFFF000  }
0x74: {  	[spmem:s3] =	stream.indirect.scatter.add.f32 [tilespmem:s30], [sflag:$0x9], $0x20, s14, s25, $0xb8;
	[tilespmem:$0x18000] =	vst v63  }
0x75: {  	_ =	swait.ge [sflag:s18], $0x1000  }
0x76: {  	[sflag:s18] =	ssyncset.done $0x0  }
0x77: {  	s14 =	sadd.s32 $0x5180, s12;
	[sflag:s18] =	ssyncadd.s32 $0xFFFFF000  }
0x78: {  	[spmem:s3] =	stream.indirect.scatter.add.f32 [tilespmem:s0], [sflag:$0xA], $0x20, s14, s25, $0xb8;
	[tilespmem:$0x18000] =	vst v63  }
0x79: {  	_ =	swait.ge [sflag:s29], $0x1000  }
0x7a: {  	[sflag:s29] =	ssyncset.done $0x0  }
0x7b: {  	s14 =	sadd.s32 $0x200, s12;
	[sflag:s29] =	ssyncadd.s32 $0xFFFFF000  }
0x7c: {  	[tilespmem:s26], [sflag:$0x3] =	stream.indirect.gather [spmem:s4], $0x20, s14, s25, $0xb8;
	[tilespmem:$0x18000] =	vst v63  }
0x7d: {  	_ =	swait.ge [sflag:s31], $0x1000  }
0x7e: {  	[sflag:s31] =	ssyncset.done $0x0  }
0x7f: {  	s14 =	sadd.s32 $0x280, s12;
	[sflag:s31] =	ssyncadd.s32 $0xFFFFF000  }
0x80: {  	[tilespmem:s28], [sflag:$0x4] =	stream.indirect.gather [spmem:s4], $0x20, s14, s25, $0xb8;
	[tilespmem:$0x18000] =	vst v63  }
0x81: {  	_ =	swait.ge [sflag:s8], $0x1000  }
0x82: {  	[sflag:s8] =	ssyncset.done $0x0  }
.Ltmp0:
0x83: {  	s14 =	sadd.s32 $0x300, s12;
	[sflag:s8] =	ssyncadd.s32 $0xFFFFF000;
	(pc) =	sbr.rel @p0 .LBB2_2-.Ltmp0, $4  }
0x84: {  	[tilespmem:s30], [sflag:$0x5] =	stream.indirect.gather [spmem:s4], $0x20, s14, s25, $0xb8;
	[tilespmem:$0x18000] =	vst v63  }
0x85: {  	_ =	swait.ge [sflag:s9], $0x1000  }
0x86: {  	[sflag:s9] =	ssyncset.done $0x0  }
0x87: {  	s12 =	sadd.s32 $0x380, s12;
	[sflag:s9] =	ssyncadd.s32 $0xFFFFF000  }
0x88: {  	[tilespmem:s0], [sflag:$0x6] =	stream.indirect.gather [spmem:s4], $0x20, s12, s25, $0xb8;
	[tilespmem:$0x18000] =	vst v63  }
0x89: {  	_ =	swait.ge [sflag:s23], $0x1000  }
0x8a: {  	[sflag:s23] =	ssyncset.done $0x0  }
0x8b: {  	s11 =	simm.s32 $0x9E00;
	[sflag:s23] =	ssyncadd.s32 $0xFFFFF000  }
0x8c: {  	[spmem:s3] =	stream.indirect.scatter.add.f32 [tilespmem:s26], [sflag:$0x7], $0x20, s11, s25, $0xb8;
	[tilespmem:$0x18000] =	vst v63  }
0x8d: {  	_ =	swait.ge [sflag:s24], $0x1000  }
0x8e: {  	[sflag:s24] =	ssyncset.done $0x0  }
0x8f: {  	s14 =	simm.s32 $0x9E80;
	[sflag:s24] =	ssyncadd.s32 $0xFFFFF000  }
0x90: {  	[spmem:s3] =	stream.indirect.scatter.add.f32 [tilespmem:s28], [sflag:$0x8], $0x20, s14, s25, $0xb8;
	[tilespmem:$0x18000] =	vst v63  }
0x91: {  	_ =	swait.ge [sflag:s1], $0x1000  }
0x92: {  	[sflag:s1] =	ssyncset.done $0x0  }
0x93: {  	s12 =	simm.s32 $0x9F00;
	[sflag:s1] =	ssyncadd.s32 $0xFFFFF000  }
0x94: {  	[spmem:s3] =	stream.indirect.scatter.add.f32 [tilespmem:s30], [sflag:$0x9], $0x20, s12, s25, $0xb8;
	[tilespmem:$0x18000] =	vst v63  }
0x95: {  	_ =	swait.ge [sflag:s18], $0x1000  }
0x96: {  	[sflag:s18] =	ssyncset.done $0x0  }
0x97: {  	s14 =	simm.s32 $0x9F80;
	[sflag:s18] =	ssyncadd.s32 $0xFFFFF000  }
0x98: {  	[spmem:s3] =	stream.indirect.scatter.add.f32 [tilespmem:s0], [sflag:$0xA], $0x20, s14, s25, $0xb8;
	[tilespmem:$0x18000] =	vst v63  }
0x99: {  	_ =	swait.ge [sflag:s29], $0x1000  }
0x9a: {  	[sflag:s29] =	ssyncset.done $0x0  }
0x9b: {  	[sflag:s29] =	ssyncadd.s32 $0xFFFFF000  }
0x9c: {  	_ =	swait.ge [sflag:s31], $0x1000  }
0x9d: {  	[sflag:s31] =	ssyncset.done $0x0  }
0x9e: {  	[sflag:s31] =	ssyncadd.s32 $0xFFFFF000  }
0x9f: {  	_ =	swait.ge [sflag:s8], $0x1000  }
0xa0: {  	[sflag:s8] =	ssyncset.done $0x0  }
0xa1: {  	[sflag:s8] =	ssyncadd.s32 $0xFFFFF000  }
0xa2: {  	_ =	swait.ge [sflag:s9], $0x1000  }
0xa3: {  	[sflag:s9] =	ssyncset.done $0x0  }
0xa4: {  	[sflag:s9] =	ssyncadd.s32 $0xFFFFF000  }
0xa5: {  	[bflag:$0x0] =	sbarrier.arrive $0xFFFF  }
0xa6: {  	s12 =	sor.u32 $0x1C0B, s15;
	s14 =	rddreg [dreg:$0x9]  }
0xa7: {  	[hbm:s14], [sflag:s12] =	dma.local [spmem:s13], $0xA00  }
0xa8: {  	_ =	swait.ge [sflag:s10], $0xA00  }
0xa9: {  	s6 =	sadd.s32 $0x1, s6;
	s14 =	rddreg [dreg:$0x7]  }
0xaa: {  	p0 =	sne.s32 s6, s14  }
.Ltmp1:
0xab: {  	_ = 	snop;
	(pc) =	sbr.rel @p0 .LBB2_1-.Ltmp1, $3  }
0xac: {  	_ =	sdelay $0x1  }
0xad: {  	[sflag:s10] =	ssyncset.done $0x0  }
0xae: {  	[sflag:s10] =	ssyncadd.s32 $0xFFFFF600  }
0xaf: {  	_ =	sfence.sel $0x180000  }
0xb0: {  	[bflag:$0x0] =	sbarrier.arrive $0xFFFF  }
0xb1: {  	_ =	strace $0x9000004A  }
0xb2: {  	s0 =	stileid.u32;
	[bflag:$0x2] =	sbarrier.arrive $0xFFFF  }
0xb3: {  	p0 =	sne.s32 s0, $0x0;
	s0 =	rddreg [dreg:$0x4]  }
0xb4: {  	s0 =	sadd.s32 @!p0 $0x100000, s0  }
0xb5: {  	[sflag:s0] =	ssyncadd.tile.s32 @!p0 $0x1;
	_ =	shalt  }
.Lfunc_end2:
_tile_overlayer_lowered:
.L_overlay_start_2:
0xb6: {  	(tag) =	ssettag $0x2  }
0xb7: {  	s0 =	rddreg [dreg:$0x0];
	s2 =	stileid.u32  }
0xb8: {  	s1 =	rddreg [dreg:$0x1];
	p0 =	sne.s32 s2, $0x0  }
0xb9: {  	s3 =	rddreg [dreg:$0x2];
	[bflag:$0x3] =	sbarrier.arrive $0xFFFF;
	s2 =	simm.s32 @!p0 $0x1C0B  }
0xba: {  	[timem:s3], [sflag:s2] =	dma.local @!p0 [hbm:s0], s1  }
0xbb: {  	s0 =	simm.s32 @!p0 $0xB  }
0xbc: {  	_ =	swait.ge @!p0 [sflag:s0], s1  }
0xbd: {  	s1 =	ssub.s32 @!p0 $0x0, s1;
	[sflag:s0] =	ssyncset.done @!p0 $0x0  }
0xbe: {  	[sflag:s0] =	ssyncadd.s32 @!p0 s1  }
0xbf: {  	[bflag:$0x3] =	sbarrier.arrive $0xFFFF  }
0xc0: {  	_ =	shalt  }

// kernel: kernel.14.cloned.1.call-start
scs
__scs_entry_jumppad:
0x0: {  	(pc) =	sbr.rel $0x88, $3  }
0x1: {  	(tag) =	ssettag $0x0;
	lr =	simm.s32 $0x1  }
0x2: {  	[smem:$0x3F9B] =	sst lr;
	_ =	strace $0xD0000000  }
0x3: {  	_ = 	snop  }
0x4: {  	_ = 	snop  }
0x5: {  	_ = 	snop  }
0x6: {  	_ = 	snop  }
0x7: {  	_ = 	snop  }
__scs_overlays_trampoline_lowered:
0x8: {  	[smem:$0x3FAA] =	sst s0  }
0x9: {  	[smem:$0x3FAB] =	sst s1  }
0xa: {  	[smem:$0x3FAC] =	sst s2  }
0xb: {  	[smem:$0x3FAD] =	sst s3  }
0xc: {  	[smem:$0x3FAE] =	sst s4  }
0xd: {  	[smem:$0x3FAF] =	sst s5  }
0xe: {  	[smem:$0x3FB0] =	sst s6  }
0xf: {  	[smem:$0x3FB1] =	sst s7  }
0x10: {  	[smem:$0x3FB2] =	sst s8  }
0x11: {  	[smem:$0x3FB3] =	sst s9;
	s0 =	simm.s32 @!p0 $0x0  }
0x12: {  	s1 =	sld [smem:$0x3F99];
	s0 =	simm.s32 @p0 $0x1  }
0x13: {  	[smem:$0x3FB4] =	sst s0;
	s0 =	simm.s32 @!p1 $0x0  }
0x14: {  	s2 =	sld [smem:$0x3F98];
	s0 =	simm.s32 @p1 $0x1  }
0x15: {  	[smem:$0x3FB5] =	sst s0;
	s0 =	simm.s32 @!p2 $0x0  }
0x16: {  	s3 =	sld [smem:$0x3FDB];
	s0 =	simm.s32 @p2 $0x1  }
0x17: {  	s4 =	simm.s32 $0x1BF5;
	[smem:$0x3FB7] =	sst s0  }
0x18: {  	s0 =	sld [smem:$0x3F9A];
	_ =	swait.ge [sflag:s4], $0x0  }
0x19: {  	s7 =	sld [smem:$0x3F9B]  }
0x1a: {  	s8 =	sadd.s32 $0xFFFFE003, lr  }
0x1b: {  	s9 =	sadd.s32 $0xFFFFFEF7, lr;
	s5 =	simm.s32 $0xFFFFFFFF;
	p2 =	slt.u32 s8, $0xFFFFF086  }
0x1c: {  	p1 =	slt.u32 s9, $0xF7A;
	s5 =	simm.s32 @!p2 $0x0  }
0x1d: {  	s5 =	simm.s32 @p1 $0x1;
	p0 =	seq.s32 s7, s2  }
0x1e: {  	s7 =	smul.u32 @!p0 $0xF7A, s2;
	p2 =	seq.s32 @!p0 s5, $0x0  }
0x1f: {  	s9 =	smul.u32 $0xF7A, s1;
	s8 =	simm.s32 @!p0 $0x1BF5;
	p2 =	por !p2, p0  }
0x20: {  	[sflag:s8] =	ssyncset.s32 @!p0 $0xFFFFF086;
	s6 =	sadd.s32 @!p0 s3, s7;
	s7 =	simm.s32 @!p0 $0x108  }
0x21: {  	s3 =	sadd.s32 s3, s9;
	s6 =	sadd.s32 @!p0 $0x88, s6;
	s7 =	simm.s32 @p2 $0x1082  }
0x22: {  	[simem:s7], [sflag:s8] =	dma.local @!p0 [hbm:s6], $0xF7A  }
0x23: {  	s9 =	sor.u32 $0xD0000000, s2;
	s6 =	simm.s32 $0x108;
	_ =	swait.ge @!p0 [sflag:s8], $0x0  }
0x24: {  	s3 =	sadd.s32 $0x88, s3;
	s6 =	simm.s32 @!p1 $0x1082;
	[sflag:s4] =	ssyncset.s32 $0xFFFFF086  }
0x25: {  	[simem:s6], [sflag:s4] =	dma.local [hbm:s3], $0xF7A  }
0x26: {  	[smem:$0x3F9B] =	sst s1;
	(tag) =	ssettag s2;
	_ =	strace s9  }
0x27: {  	s1 =	sld [smem:$0x3FAB]  }
0x28: {  	s2 =	sld [smem:$0x3FAC]  }
0x29: {  	s4 =	sld [smem:$0x3FAE]  }
0x2a: {  	p0 =	seq.s32 s5, $0x0;
	s5 =	sld [smem:$0x3FAF]  }
0x2b: {  	s6 =	sld [smem:$0x3FB0]  }
0x2c: {  	s7 =	sld [smem:$0x3FB1]  }
0x2d: {  	s3 =	simm.s32 $0x108;
	s8 =	sld [smem:$0x3FB2]  }
0x2e: {  	s3 =	simm.s32 @!p0 $0x1082;
	s9 =	sld [smem:$0x3FB3]  }
0x2f: {  	lr =	sadd.s32 s0, s3;
	s0 =	sld [smem:$0x3FAA]  }
0x30: {  	s3 =	sld [smem:$0x3FAD]  }
0x31: {  	[smem:$0x3FB6] =	sst s10  }
0x32: {  	s10 =	sld [smem:$0x3FB4];
	_ =	sdelay $0x3  }
0x33: {  	p0 =	seq.s32 s10, $0x1;
	s10 =	sld [smem:$0x3FB6];
	_ =	sdelay $0x3  }
0x34: {  	[smem:$0x3FB6] =	sst s10  }
0x35: {  	s10 =	sld [smem:$0x3FB5];
	_ =	sdelay $0x3  }
0x36: {  	p1 =	seq.s32 s10, $0x1;
	s10 =	sld [smem:$0x3FB6];
	_ =	sdelay $0x3  }
0x37: {  	[smem:$0x3FB6] =	sst s10  }
0x38: {  	s10 =	sld [smem:$0x3FB7]  }
0x39: {  	_ = 	snop;
	(pc) =	sbr.ind lr, $3  }
0x3a: {  	_ = 	snop  }
0x3b: {  	_ = 	snop  }
0x3c: {  	p2 =	seq.s32 s10, $0x1;
	s10 =	sld [smem:$0x3FB6]  }
0x3d: {  	_ =	shalt  }
0x3e: {  	_ =	shalt  }
0x3f: {  	_ =	shalt  }
0x40: {  	_ =	shalt  }
0x41: {  	_ =	shalt  }
0x42: {  	_ =	shalt  }
0x43: {  	_ =	shalt  }
0x44: {  	_ =	shalt  }
0x45: {  	_ =	shalt  }
0x46: {  	_ =	shalt  }
0x47: {  	_ =	shalt  }
0x48: {  	_ =	shalt  }
0x49: {  	_ =	shalt  }
0x4a: {  	_ =	shalt  }
0x4b: {  	_ =	shalt  }
0x4c: {  	_ =	shalt  }
0x4d: {  	_ =	shalt  }
0x4e: {  	_ =	shalt  }
0x4f: {  	_ =	shalt  }
0x50: {  	_ =	shalt  }
0x51: {  	_ =	shalt  }
0x52: {  	_ =	shalt  }
0x53: {  	_ =	shalt  }
0x54: {  	_ =	shalt  }
0x55: {  	_ =	shalt  }
0x56: {  	_ =	shalt  }
0x57: {  	_ =	shalt  }
0x58: {  	_ =	shalt  }
0x59: {  	_ =	shalt  }
0x5a: {  	_ =	shalt  }
0x5b: {  	_ =	shalt  }
0x5c: {  	_ =	shalt  }
0x5d: {  	_ =	shalt  }
0x5e: {  	_ =	shalt  }
0x5f: {  	_ =	shalt  }
0x60: {  	_ =	shalt  }
0x61: {  	_ =	shalt  }
0x62: {  	_ =	shalt  }
0x63: {  	_ =	shalt  }
0x64: {  	_ =	shalt  }
0x65: {  	_ =	shalt  }
0x66: {  	_ =	shalt  }
0x67: {  	_ =	shalt  }
0x68: {  	_ =	shalt  }
0x69: {  	_ =	shalt  }
0x6a: {  	_ =	shalt  }
0x6b: {  	_ =	shalt  }
0x6c: {  	_ =	shalt  }
0x6d: {  	_ =	shalt  }
0x6e: {  	_ =	shalt  }
0x6f: {  	_ =	shalt  }
0x70: {  	_ =	shalt  }
0x71: {  	_ =	shalt  }
0x72: {  	_ =	shalt  }
0x73: {  	_ =	shalt  }
0x74: {  	_ =	shalt  }
0x75: {  	_ =	shalt  }
0x76: {  	_ =	shalt  }
0x77: {  	_ =	shalt  }
0x78: {  	_ =	shalt  }
0x79: {  	_ =	shalt  }
0x7a: {  	_ =	shalt  }
0x7b: {  	_ =	shalt  }
0x7c: {  	_ =	shalt  }
0x7d: {  	_ =	shalt  }
0x7e: {  	_ =	shalt  }
0x7f: {  	_ =	shalt  }
0x80: {  	_ =	shalt  }
0x81: {  	_ =	shalt  }
0x82: {  	_ =	shalt  }
0x83: {  	_ =	shalt  }
0x84: {  	_ =	shalt  }
0x85: {  	_ =	shalt  }
0x86: {  	_ =	shalt  }
0x87: {  	_ =	shalt  }
.Lfunc_end0:
.L_simem_size_0:
called_computation.2_lowered:
.L_overlay_start_0:
0x88: {  	s2 =	sld [smem:$0x3FD9]  }
0x89: {  	s3 =	sld [smem:$0x3FFE];
	_ =	sdelay $0x1  }
0x8a: {  	s1 =	srdreg.scid  }
0x8b: {  	s0 =	sand.u32 $0x1, s1  }
0x8c: {  	s17 =	sshll.u32 s0, $0xA;
	s2 =	sadd.s32 s3, s2  }
0x8d: {  	s2 =	sadd.s32 s2, s17  }
0x8e: {  	[smem:$0x3FC2] =	sst s2  }
0x8f: {  	_ = 	snop  }
0x90: {  	s2 =	sld [smem:$0x3FD0];
	(tm) =	ssettm $0x1  }
0x91: {  	s18 =	sld [smem:$0x3FFB];
	_ =	sdelay $0x3  }
0x92: {  	_ =	strace s18  }
0x93: {  	s3 =	sld [smem:$0x3FFC];
	_ =	sdelay $0x3  }
0x94: {  	_ =	strace s3  }
0x95: {  	s3 =	sld [smem:$0x3FFD];
	_ =	sdelay $0x3  }
0x96: {  	_ =	strace s3  }
0x97: {  	_ =	strace $0x8FFFFFFF  }
0x98: {  	s19 =	sld [smem:$0x3FDB];
	_ =	sdelay $0x1  }
0x99: {  	s4 =	simm.s32 $_scs_section_size  }
0x9a: {  	s5 =	simm.s32 $_size__tile_overlayer_lowered;
	s6 =	simm.s32 $_tile_overlayer_lowered  }
0x9b: {  	s22 =	simm.s32 $0x1BFF;
	s21 =	sshll.u32 s6, $0x1;
	s3 =	sadd.s32 s4, s19  }
0x9c: {  	s7 =	simm.s32 $0x0;
	s20 =	sshll.u32 s5, $0x1;
	s5 =	sadd.s32 s21, s3  }
0x9d: {  	[timem:s7], [sflag:s22] =	dma.local [hbm:s5], s20  }
0x9e: {  	_ =	swait.ge [sflag:s22], s20  }
0x9f: {  	s4 =	ssub.s32 $0x0, s20;
	[sflag:s22] =	ssyncset.done $0x0  }
0xa0: {  	[sflag:s22] =	ssyncadd.s32 s4;
	_ =	sdelay $0x1  }
0xa1: {  	s23 =	simm.s32 $0x1B8B  }
0xa2: {  	_ =	swait.ge [sflag:s23], $0x1  }
0xa3: {  	[sflag:s23] =	ssyncset.done $0x0  }
0xa4: {  	s25 =	simm.s32 $0x1B8E;
	s24 =	sld [smem:$0x3FFE];
	[sflag:s23] =	ssyncadd.s32 $0xFFFFFFFF  }
0xa5: {  	s26 =	simm.s32 $execute0_lowered;
	[smem:$0x3FD2] =	sst s25  }
0xa6: {  	s5 =	sshll.u32 s26, $0x1;
	_ =	strace $0x8000004C;
	[dreg:$0x1] =	wrdreg $0xFFFFFFFF  }
0xa7: {  	s28 =	simm.s32 $_size_execute0_lowered;
	s3 =	sadd.s32 s3, s5;
	[dreg:$0x0] =	wrdreg $0x0  }
0xa8: {  	s5 =	sshll.u32 s28, $0x1;
	[dreg:$0x2] =	wrdreg s3  }
0xa9: {  	[dreg:$0x3] =	wrdreg s5  }
0xaa: {  	[dreg:$0x4] =	wrdreg $0xC0  }
0xab: {  	_ =	task [dreg:s7], $0x5FFFF  }
0xac: {  	[dreg:$0x1] =	wrdreg $0xFFFFFFFF  }
0xad: {  	[dreg:$0x0] =	wrdreg $0x60  }
0xae: {  	[dreg:$0x2] =	wrdreg s24  }
0xaf: {  	[dreg:$0x3] =	wrdreg s2  }
0xb0: {  	[dreg:$0x4] =	wrdreg $0x60000  }
0xb1: {  	[dreg:$0x5] =	wrdreg $0x74000  }
0xb2: {  	[dreg:$0x6] =	wrdreg $0x9  }
0xb3: {  	_ =	task.clear_ibuf [dreg:s7], $0x7FFFF;
	_ =	strace $0x9000004C  }
0xb4: {  	s29 =	simm.s32 $0x9;
	_ =	strace $0x8000004E  }
0xb5: {  	_ =	swait.ge [sflag:s29], $0x1  }
0xb6: {  	[sflag:s29] =	ssyncadd.s32 $0xFFFFFFFF  }
0xb7: {  	_ =	strace $0x9000004E  }
0xb8: {  	_ =	sfence  }
0xb9: {  	s30 =	sld [smem:$0x0];
	_ =	sdelay $0x2  }
0xba: {  	s31 =	sshll.u32 s1, $0xD;
	s1 =	sshrl.u32 s1, $0x2  }
0xbb: {  	s3 =	sand.u32 $0x4000, s31;
	s1 =	sadd.s32 s1, s30  }
0xbc: {  	s0 =	sor.u32 s3, s0;
	s1 =	sshll.u32 s1, $0x11  }
0xbd: {  	s0 =	sor.u32 s1, s0  }
0xbe: {  	s0 =	sadd.s32 $0x8F2B, s0  }
0xbf: {  	[sflag:s0] =	ssyncadd.remote.s32 $0x1  }
0xc0: {  	_ =	sfence.sel $0xFFFF  }
0xc1: {  	[dreg:$0x0] =	wrdreg $0xFFFFFFFF;
	(pc) =	sbr.abs _section_cstart, $3  }
0xc2: {  	[dreg:$0x1] =	wrdreg $0xFFFFFFFF  }
0xc3: {  	_ =	task.clear_ibuf [dreg:s7], $0x2FFFF;
	_ =	strace $0x9FFFFFFF  }
0xc4: {  	(tm) =	ssettm $0x7FFFFFFF  }
0xc5: {  	_ =	shalt  }
tec
execute0_lowered:
.L_overlay_start_1:
0x0: {  	(tag) =	ssettag $0x1  }
0x1: {  	s0 =	rddreg [dreg:$0x0]  }
0x2: {  	s2 =	srdreg.scid;
	s1 =	rddreg [dreg:$0x1]  }
0x3: {  	s12 =	stileid.u32;
	s3 =	rddreg [dreg:$0x2]  }
0x4: {  	s28 =	simm.s32 $0x5400;
	s30 =	simm.s32 $0x5800;
	s29 =	simm.s32 $0x6  }
0x5: {  	s2 =	sand.u32 $0x1, s2;
	s4 =	sshll.u32 s12, $0x1;
	s8 =	smul.u32 $0x1400, s12  }
0x6: {  	s31 =	simm.s32 $0x7;
	s10 =	smul.u32 $0x5000, s12;
	s5 =	sor.u32 s2, s4  }
0x7: {  	s4 =	rddreg [dreg:$0x3];
	s7 =	smul.u32 $0x14000, s2;
	s2 =	ssub.s32 $0x2, s2  }
0x8: {  	s6 =	smul.u32 $0x500, s5;
	s5 =	simm.s32 $0x0;
	s17 =	sshrl.u32 s8, $0x3  }
0x9: {  	s19 =	sshrl.u32 s2, $0x1;
	s20 =	sshrl.u32 s10, $0x2;
	s21 =	sadd.s32 s8, s3  }
0xa: {  	s10 =	simm.s32 $0xB;
	[smem:$0x7FF] =	sst s5;
	s7 =	sadd.s32 s8, s7  }
0xb: {  	s11 =	sadd.s32 s17, s0;
	s2 =	ssub.s32 s2, s19;
	s22 =	sadd.s32 s20, s3  }
0xc: {  	s8 =	sadd.s32 s8, s4;
	s13 =	sshrl.u32 s21, $0x3;
	s21 =	simm.s32 $0x1  }
0xd: {  	s20 =	simm.s32 $0x5;
	_ =	strace $0x8000004D;
	s9 =	sadd.s32 s6, s0  }
0xe: {  	s18 =	sshrl.u32 s7, $0x3;
	s6 =	sshll.u32 s12, $0x6;
	s14 =	sadd.s32 $0x400, s22  }
0xf: {  	s15 =	sadd.s32 $0x800, s22;
	s16 =	sadd.s32 $0xC00, s22;
	s12 =	sadd.s32 $0x1000, s22  }
0x10: {  	s11 =	sadd.s32 $0x3EE00, s11;
	s24 =	smax.u32 s2, $0x1;
	s19 =	sshrl.u32 s8, $0x3  }
0x11: {  	s22 =	simm.s32 $0xA;
	s2 =	simm.s32 $0x5C00;
	s8 =	simm.s32 $0x8  }
0x12: {  	s0 =	sadd.s32 s18, s0;
	s7 =	sor.u32 $0x1C01, s6;
	[dreg:$0x5] =	wrdreg s11  }
0x13: {  	s23 =	sadd.s32 $0xCE00, s9;
	s9 =	sadd.s32 $0x2200, s9;
	[dreg:$0x9] =	wrdreg s24  }
0x14: {  	s25 =	sshrl.u32 s14, $0x3;
	s26 =	sshrl.u32 s15, $0x3;
	[dreg:$0x6] =	wrdreg s23  }
0x15: {  	s16 =	sshrl.u32 s16, $0x3;
	s17 =	sshrl.u32 s12, $0x3;
	[dreg:$0x7] =	wrdreg s9  }
0x16: {  	s18 =	sor.u32 $0x1C0A, s6;
	s24 =	simm.s32 $0x3;
	[dreg:$0xa] =	wrdreg s25  }
0x17: {  	s11 =	simm.s32 $0x0;
	s0 =	sadd.s32 $0x41600, s0;
	[dreg:$0xb] =	wrdreg s26  }
0x18: {  	s23 =	simm.s32 $0x2;
	s25 =	simm.s32 $0x80;
	s26 =	simm.s32 $0x5000  }
0x19: {  	s9 =	simm.s32 $0x9;
	[dreg:$0x8] =	wrdreg s0;
	s0 =	simm.s32 $0x4  }
.LBB2_1:
0x1a: {  	[spmem:s13], [sflag:s7] =	dma.local [hbm:s1], $0x80  }
0x1b: {  	s12 =	rddreg [dreg:$0xa]  }
0x1c: {  	[spmem:s12], [sflag:s7] =	dma.local [hbm:s1], $0x80  }
0x1d: {  	s12 =	rddreg [dreg:$0xb]  }
0x1e: {  	[spmem:s12], [sflag:s7] =	dma.local [hbm:s1], $0x80  }
0x1f: {  	[spmem:s16], [sflag:s7] =	dma.local [hbm:s1], $0x80  }
0x20: {  	[spmem:s17], [sflag:s7] =	dma.local [hbm:s1], $0x80  }
0x21: {  	s14 =	rddreg [dreg:$0x5]  }
0x22: {  	[spmem:s19], [sflag:s18] =	dma.local [hbm:s14], $0x280  }
0x23: {  	s12 =	rddreg [dreg:$0x6]  }
0x24: {  	[tilespmem:s5], [sflag:$0x2] =	stream.linear.gather [hbm4b:s12+s5], $0x2800, $0x38;
	[tilespmem:$0x8800] =	vst v63  }
0x25: {  	s14 =	simm.s32 $0x2800;
	s15 =	rddreg [dreg:$0x7]  }
0x26: {  	[tilespmem:s14], [sflag:$0x3] =	stream.linear.gather [hbm4b:s15+s5], $0x2800, $0x38;
	[tilespmem:$0x8800] =	vst v63  }
0x27: {  	_ =	swait.ge [sflag:s21], $0x80  }
0x28: {  	[sflag:s21] =	ssyncset.done $0x0  }
0x29: {  	[sflag:s21] =	ssyncadd.s32 $0xFFFFFF80  }
0x2a: {  	_ =	swait.ge [sflag:s21], $0x80  }
0x2b: {  	[sflag:s21] =	ssyncset.done $0x0  }
0x2c: {  	[sflag:s21] =	ssyncadd.s32 $0xFFFFFF80  }
0x2d: {  	_ =	swait.ge [sflag:s21], $0x80  }
0x2e: {  	[sflag:s21] =	ssyncset.done $0x0  }
0x2f: {  	[sflag:s21] =	ssyncadd.s32 $0xFFFFFF80  }
0x30: {  	_ =	swait.ge [sflag:s21], $0x80  }
0x31: {  	[sflag:s21] =	ssyncset.done $0x0  }
0x32: {  	[sflag:s21] =	ssyncadd.s32 $0xFFFFFF80  }
0x33: {  	_ =	swait.ge [sflag:s21], $0x80  }
0x34: {  	[sflag:s21] =	ssyncset.done $0x0  }
0x35: {  	[sflag:s21] =	ssyncadd.s32 $0xFFFFFF80  }
0x36: {  	_ =	swait.ge [sflag:s22], $0x280  }
0x37: {  	[sflag:s22] =	ssyncset.done $0x0  }
0x38: {  	[sflag:s22] =	ssyncadd.s32 $0xFFFFFD80  }
0x39: {  	_ =	swait.ge [sflag:s23], $0x2800  }
0x3a: {  	[sflag:s23] =	ssyncset.done $0x0  }
0x3b: {  	[sflag:s23] =	ssyncadd.s32 $0xFFFFD800  }
0x3c: {  	_ =	swait.ge [sflag:s24], $0x2800  }
0x3d: {  	[sflag:s24] =	ssyncset.done $0x0  }
0x3e: {  	[sflag:s24] =	ssyncadd.s32 $0xFFFFD800  }
0x3f: {  	[bflag:$0x0] =	sbarrier.arrive $0xFFFF  }
0x40: {  	[tilespmem:s26], [sflag:$0x2] =	stream.indirect.gather [spmem:s4], $0x8, s5, s25, $0xb8;
	[tilespmem:$0x8800] =	vst v63  }
0x41: {  	_ = 	snop  }
0x42: {  	[tilespmem:s28], [sflag:$0x3] =	stream.indirect.gather [spmem:s4], $0x8, s25, s25, $0xb8;
	[tilespmem:$0x8800] =	vst v63  }
0x43: {  	s15 =	simm.s32 $0x100  }
0x44: {  	[tilespmem:s30], [sflag:$0x4] =	stream.indirect.gather [spmem:s4], $0x8, s15, s25, $0xb8;
	[tilespmem:$0x8800] =	vst v63  }
0x45: {  	s14 =	simm.s32 $0x180  }
0x46: {  	[tilespmem:s2], [sflag:$0x5] =	stream.indirect.gather [spmem:s4], $0x8, s14, s25, $0xb8;
	[tilespmem:$0x8800] =	vst v63  }
0x47: {  	_ =	swait.ge [sflag:s23], $0x400  }
0x48: {  	[sflag:s23] =	ssyncset.done $0x0  }
0x49: {  	s15 =	simm.s32 $0x2800;
	[sflag:s23] =	ssyncadd.s32 $0xFFFFFC00  }
0x4a: {  	[spmem:s3] =	stream.indirect.scatter.add.f32 [tilespmem:s26], [sflag:$0x6], $0x8, s15, s25, $0xb8;
	[tilespmem:$0x8800] =	vst v63  }
0x4b: {  	_ =	swait.ge [sflag:s24], $0x400  }
0x4c: {  	[sflag:s24] =	ssyncset.done $0x0  }
0x4d: {  	s14 =	simm.s32 $0x2880;
	[sflag:s24] =	ssyncadd.s32 $0xFFFFFC00  }
0x4e: {  	[spmem:s3] =	stream.indirect.scatter.add.f32 [tilespmem:s28], [sflag:$0x7], $0x8, s14, s25, $0xb8;
	[tilespmem:$0x8800] =	vst v63  }
0x4f: {  	_ =	swait.ge [sflag:s0], $0x400  }
0x50: {  	[sflag:s0] =	ssyncset.done $0x0  }
0x51: {  	s15 =	simm.s32 $0x2900;
	[sflag:s0] =	ssyncadd.s32 $0xFFFFFC00  }
0x52: {  	[spmem:s3] =	stream.indirect.scatter.add.f32 [tilespmem:s30], [sflag:$0x8], $0x8, s15, s25, $0xb8;
	[tilespmem:$0x8800] =	vst v63  }
0x53: {  	_ =	swait.ge [sflag:s20], $0x400  }
0x54: {  	[sflag:s20] =	ssyncset.done $0x0  }
0x55: {  	s14 =	simm.s32 $0x2980;
	[sflag:s20] =	ssyncadd.s32 $0xFFFFFC00  }
0x56: {  	[spmem:s3] =	stream.indirect.scatter.add.f32 [tilespmem:s2], [sflag:$0x9], $0x8, s14, s25, $0xb8;
	[tilespmem:$0x8800] =	vst v63  }
0x57: {  	_ =	swait.ge [sflag:s29], $0x400  }
0x58: {  	[sflag:s29] =	ssyncset.done $0x0  }
0x59: {  	s15 =	simm.s32 $0x200;
	[sflag:s29] =	ssyncadd.s32 $0xFFFFFC00  }
0x5a: {  	[tilespmem:s26], [sflag:$0x2] =	stream.indirect.gather [spmem:s4], $0x8, s15, s25, $0xb8;
	[tilespmem:$0x8800] =	vst v63  }
0x5b: {  	_ =	swait.ge [sflag:s31], $0x400  }
0x5c: {  	[sflag:s31] =	ssyncset.done $0x0  }
0x5d: {  	s14 =	simm.s32 $0x280;
	[sflag:s31] =	ssyncadd.s32 $0xFFFFFC00  }
0x5e: {  	[tilespmem:s28], [sflag:$0x3] =	stream.indirect.gather [spmem:s4], $0x8, s14, s25, $0xb8;
	[tilespmem:$0x8800] =	vst v63  }
0x5f: {  	_ =	swait.ge [sflag:s8], $0x400  }
0x60: {  	[sflag:s8] =	ssyncset.done $0x0  }
0x61: {  	s15 =	simm.s32 $0x300;
	[sflag:s8] =	ssyncadd.s32 $0xFFFFFC00  }
0x62: {  	[tilespmem:s30], [sflag:$0x4] =	stream.indirect.gather [spmem:s4], $0x8, s15, s25, $0xb8;
	[tilespmem:$0x8800] =	vst v63  }
0x63: {  	_ =	swait.ge [sflag:s9], $0x400  }
0x64: {  	[sflag:s9] =	ssyncset.done $0x0  }
0x65: {  	s12 =	simm.s32 $0x800;
	s14 =	simm.s32 $0x380;
	[sflag:s9] =	ssyncadd.s32 $0xFFFFFC00  }
.LBB2_2:
0x66: {  	[tilespmem:s2], [sflag:$0x5] =	stream.indirect.gather [spmem:s4], $0x8, s14, s25, $0xb8;
	[tilespmem:$0x8800] =	vst v63  }
0x67: {  	s14 =	smov.u32 s12  }
0x68: {  	p0 =	sne.s32 s12, $0x9000;
	s12 =	sadd.s32 $0x800, s12;
	_ =	swait.ge [sflag:s23], $0x400  }
0x69: {  	s14 =	sshra.s32 s14, $0x2;
	[sflag:s23] =	ssyncset.done $0x0  }
0x6a: {  	s15 =	sadd.s32 $0x2800, s14;
	[sflag:s23] =	ssyncadd.s32 $0xFFFFFC00  }
0x6b: {  	[spmem:s3] =	stream.indirect.scatter.add.f32 [tilespmem:s26], [sflag:$0x6], $0x8, s15, s25, $0xb8;
	[tilespmem:$0x8800] =	vst v63  }
0x6c: {  	_ =	swait.ge [sflag:s24], $0x400  }
0x6d: {  	[sflag:s24] =	ssyncset.done $0x0  }
0x6e: {  	s15 =	sadd.s32 $0x2880, s14;
	[sflag:s24] =	ssyncadd.s32 $0xFFFFFC00  }
0x6f: {  	[spmem:s3] =	stream.indirect.scatter.add.f32 [tilespmem:s28], [sflag:$0x7], $0x8, s15, s25, $0xb8;
	[tilespmem:$0x8800] =	vst v63  }
0x70: {  	_ =	swait.ge [sflag:s0], $0x400  }
0x71: {  	[sflag:s0] =	ssyncset.done $0x0  }
0x72: {  	s15 =	sadd.s32 $0x2900, s14;
	[sflag:s0] =	ssyncadd.s32 $0xFFFFFC00  }
0x73: {  	[spmem:s3] =	stream.indirect.scatter.add.f32 [tilespmem:s30], [sflag:$0x8], $0x8, s15, s25, $0xb8;
	[tilespmem:$0x8800] =	vst v63  }
0x74: {  	_ =	swait.ge [sflag:s20], $0x400  }
0x75: {  	[sflag:s20] =	ssyncset.done $0x0  }
0x76: {  	s15 =	sadd.s32 $0x2980, s14;
	[sflag:s20] =	ssyncadd.s32 $0xFFFFFC00  }
0x77: {  	[spmem:s3] =	stream.indirect.scatter.add.f32 [tilespmem:s2], [sflag:$0x9], $0x8, s15, s25, $0xb8;
	[tilespmem:$0x8800] =	vst v63  }
0x78: {  	_ =	swait.ge [sflag:s29], $0x400  }
0x79: {  	[sflag:s29] =	ssyncset.done $0x0  }
0x7a: {  	s15 =	sadd.s32 $0x200, s14;
	[sflag:s29] =	ssyncadd.s32 $0xFFFFFC00  }
0x7b: {  	[tilespmem:s26], [sflag:$0x2] =	stream.indirect.gather [spmem:s4], $0x8, s15, s25, $0xb8;
	[tilespmem:$0x8800] =	vst v63  }
0x7c: {  	_ =	swait.ge [sflag:s31], $0x400  }
0x7d: {  	[sflag:s31] =	ssyncset.done $0x0  }
0x7e: {  	s15 =	sadd.s32 $0x280, s14;
	[sflag:s31] =	ssyncadd.s32 $0xFFFFFC00  }
0x7f: {  	[tilespmem:s28], [sflag:$0x3] =	stream.indirect.gather [spmem:s4], $0x8, s15, s25, $0xb8;
	[tilespmem:$0x8800] =	vst v63  }
0x80: {  	_ =	swait.ge [sflag:s8], $0x400  }
0x81: {  	[sflag:s8] =	ssyncset.done $0x0  }
.Ltmp0:
0x82: {  	s15 =	sadd.s32 $0x300, s14;
	[sflag:s8] =	ssyncadd.s32 $0xFFFFFC00;
	(pc) =	sbr.rel @p0 .LBB2_2-.Ltmp0, $4  }
0x83: {  	[tilespmem:s30], [sflag:$0x4] =	stream.indirect.gather [spmem:s4], $0x8, s15, s25, $0xb8;
	[tilespmem:$0x8800] =	vst v63  }
0x84: {  	_ =	swait.ge [sflag:s9], $0x400  }
0x85: {  	[sflag:s9] =	ssyncset.done $0x0  }
0x86: {  	s14 =	sadd.s32 $0x380, s14;
	[sflag:s9] =	ssyncadd.s32 $0xFFFFFC00  }
0x87: {  	[tilespmem:s2], [sflag:$0x5] =	stream.indirect.gather [spmem:s4], $0x8, s14, s25, $0xb8;
	[tilespmem:$0x8800] =	vst v63  }
0x88: {  	_ =	swait.ge [sflag:s23], $0x400  }
0x89: {  	[sflag:s23] =	ssyncset.done $0x0  }
0x8a: {  	s12 =	simm.s32 $0x4E00;
	[sflag:s23] =	ssyncadd.s32 $0xFFFFFC00  }
0x8b: {  	[spmem:s3] =	stream.indirect.scatter.add.f32 [tilespmem:s26], [sflag:$0x6], $0x8, s12, s25, $0xb8;
	[tilespmem:$0x8800] =	vst v63  }
0x8c: {  	_ =	swait.ge [sflag:s24], $0x400  }
0x8d: {  	[sflag:s24] =	ssyncset.done $0x0  }
0x8e: {  	s15 =	simm.s32 $0x4E80;
	[sflag:s24] =	ssyncadd.s32 $0xFFFFFC00  }
0x8f: {  	[spmem:s3] =	stream.indirect.scatter.add.f32 [tilespmem:s28], [sflag:$0x7], $0x8, s15, s25, $0xb8;
	[tilespmem:$0x8800] =	vst v63  }
0x90: {  	_ =	swait.ge [sflag:s0], $0x400  }
0x91: {  	[sflag:s0] =	ssyncset.done $0x0  }
0x92: {  	s14 =	simm.s32 $0x4F00;
	[sflag:s0] =	ssyncadd.s32 $0xFFFFFC00  }
0x93: {  	[spmem:s3] =	stream.indirect.scatter.add.f32 [tilespmem:s30], [sflag:$0x8], $0x8, s14, s25, $0xb8;
	[tilespmem:$0x8800] =	vst v63  }
0x94: {  	_ =	swait.ge [sflag:s20], $0x400  }
0x95: {  	[sflag:s20] =	ssyncset.done $0x0  }
0x96: {  	s15 =	simm.s32 $0x4F80;
	[sflag:s20] =	ssyncadd.s32 $0xFFFFFC00  }
0x97: {  	[spmem:s3] =	stream.indirect.scatter.add.f32 [tilespmem:s2], [sflag:$0x9], $0x8, s15, s25, $0xb8;
	[tilespmem:$0x8800] =	vst v63  }
0x98: {  	_ =	swait.ge [sflag:s29], $0x400  }
0x99: {  	[sflag:s29] =	ssyncset.done $0x0  }
0x9a: {  	[sflag:s29] =	ssyncadd.s32 $0xFFFFFC00  }
0x9b: {  	_ =	swait.ge [sflag:s31], $0x400  }
0x9c: {  	[sflag:s31] =	ssyncset.done $0x0  }
0x9d: {  	[sflag:s31] =	ssyncadd.s32 $0xFFFFFC00  }
0x9e: {  	_ =	swait.ge [sflag:s8], $0x400  }
0x9f: {  	[sflag:s8] =	ssyncset.done $0x0  }
0xa0: {  	[sflag:s8] =	ssyncadd.s32 $0xFFFFFC00  }
0xa1: {  	_ =	swait.ge [sflag:s9], $0x400  }
0xa2: {  	[sflag:s9] =	ssyncset.done $0x0  }
0xa3: {  	[sflag:s9] =	ssyncadd.s32 $0xFFFFFC00  }
0xa4: {  	[bflag:$0x0] =	sbarrier.arrive $0xFFFF  }
0xa5: {  	s14 =	sor.u32 $0x1C0B, s6;
	s15 =	rddreg [dreg:$0x8]  }
0xa6: {  	[hbm:s15], [sflag:s14] =	dma.local [spmem:s13], $0x280  }
0xa7: {  	_ =	swait.ge [sflag:s10], $0x280  }
0xa8: {  	s11 =	sadd.s32 $0x1, s11;
	s15 =	rddreg [dreg:$0x9]  }
0xa9: {  	p0 =	sne.s32 s11, s15  }
.Ltmp1:
0xaa: {  	_ = 	snop;
	(pc) =	sbr.rel @p0 .LBB2_1-.Ltmp1, $3  }
0xab: {  	_ =	sdelay $0x1  }
0xac: {  	[sflag:s10] =	ssyncset.done $0x0  }
0xad: {  	[sflag:s10] =	ssyncadd.s32 $0xFFFFFD80  }
0xae: {  	_ =	sfence.sel $0x180000  }
0xaf: {  	[bflag:$0x0] =	sbarrier.arrive $0xFFFF  }
0xb0: {  	_ =	strace $0x9000004D  }
0xb1: {  	s0 =	stileid.u32;
	[bflag:$0x2] =	sbarrier.arrive $0xFFFF  }
0xb2: {  	p0 =	sne.s32 s0, $0x0;
	s0 =	rddreg [dreg:$0x4]  }
0xb3: {  	s0 =	sadd.s32 @!p0 $0x100000, s0  }
0xb4: {  	[sflag:s0] =	ssyncadd.tile.s32 @!p0 $0x1;
	_ =	shalt  }
.Lfunc_end2:
_tile_overlayer_lowered:
.L_overlay_start_2:
0xb5: {  	(tag) =	ssettag $0x2  }
0xb6: {  	s0 =	rddreg [dreg:$0x0];
	s2 =	stileid.u32  }
0xb7: {  	s1 =	rddreg [dreg:$0x1];
	p0 =	sne.s32 s2, $0x0  }
0xb8: {  	s3 =	rddreg [dreg:$0x2];
	[bflag:$0x3] =	sbarrier.arrive $0xFFFF;
	s2 =	simm.s32 @!p0 $0x1C0B  }
0xb9: {  	[timem:s3], [sflag:s2] =	dma.local @!p0 [hbm:s0], s1  }
0xba: {  	s0 =	simm.s32 @!p0 $0xB  }
0xbb: {  	_ =	swait.ge @!p0 [sflag:s0], s1  }
0xbc: {  	s1 =	ssub.s32 @!p0 $0x0, s1;
	[sflag:s0] =	ssyncset.done @!p0 $0x0  }
0xbd: {  	[sflag:s0] =	ssyncadd.s32 @!p0 s1  }
0xbe: {  	[bflag:$0x3] =	sbarrier.arrive $0xFFFF  }
0xbf: {  	_ =	shalt  }

// kernel: kernel.8.cloned.1.call-start
scs
__scs_entry_jumppad:
0x0: {  	(pc) =	sbr.rel $0x88, $3  }
0x1: {  	(tag) =	ssettag $0x0;
	lr =	simm.s32 $0x1  }
0x2: {  	[smem:$0x3F9B] =	sst lr;
	_ =	strace $0xD0000000  }
0x3: {  	_ = 	snop  }
0x4: {  	_ = 	snop  }
0x5: {  	_ = 	snop  }
0x6: {  	_ = 	snop  }
0x7: {  	_ = 	snop  }
__scs_overlays_trampoline_lowered:
0x8: {  	[smem:$0x3FAA] =	sst s0  }
0x9: {  	[smem:$0x3FAB] =	sst s1  }
0xa: {  	[smem:$0x3FAC] =	sst s2  }
0xb: {  	[smem:$0x3FAD] =	sst s3  }
0xc: {  	[smem:$0x3FAE] =	sst s4  }
0xd: {  	[smem:$0x3FAF] =	sst s5  }
0xe: {  	[smem:$0x3FB0] =	sst s6  }
0xf: {  	[smem:$0x3FB1] =	sst s7  }
0x10: {  	[smem:$0x3FB2] =	sst s8  }
0x11: {  	[smem:$0x3FB3] =	sst s9;
	s0 =	simm.s32 @!p0 $0x0  }
0x12: {  	s1 =	sld [smem:$0x3F99];
	s0 =	simm.s32 @p0 $0x1  }
0x13: {  	[smem:$0x3FB4] =	sst s0;
	s0 =	simm.s32 @!p1 $0x0  }
0x14: {  	s2 =	sld [smem:$0x3F98];
	s0 =	simm.s32 @p1 $0x1  }
0x15: {  	[smem:$0x3FB5] =	sst s0;
	s0 =	simm.s32 @!p2 $0x0  }
0x16: {  	s3 =	sld [smem:$0x3FDB];
	s0 =	simm.s32 @p2 $0x1  }
0x17: {  	s4 =	simm.s32 $0x1BF5;
	[smem:$0x3FB7] =	sst s0  }
0x18: {  	s0 =	sld [smem:$0x3F9A];
	_ =	swait.ge [sflag:s4], $0x0  }
0x19: {  	s7 =	sld [smem:$0x3F9B]  }
0x1a: {  	s8 =	sadd.s32 $0xFFFFE003, lr  }
0x1b: {  	s9 =	sadd.s32 $0xFFFFFEF7, lr;
	s5 =	simm.s32 $0xFFFFFFFF;
	p2 =	slt.u32 s8, $0xFFFFF086  }
0x1c: {  	p1 =	slt.u32 s9, $0xF7A;
	s5 =	simm.s32 @!p2 $0x0  }
0x1d: {  	s5 =	simm.s32 @p1 $0x1;
	p0 =	seq.s32 s7, s2  }
0x1e: {  	s7 =	smul.u32 @!p0 $0xF7A, s2;
	p2 =	seq.s32 @!p0 s5, $0x0  }
0x1f: {  	s9 =	smul.u32 $0xF7A, s1;
	s8 =	simm.s32 @!p0 $0x1BF5;
	p2 =	por !p2, p0  }
0x20: {  	[sflag:s8] =	ssyncset.s32 @!p0 $0xFFFFF086;
	s6 =	sadd.s32 @!p0 s3, s7;
	s7 =	simm.s32 @!p0 $0x108  }
0x21: {  	s3 =	sadd.s32 s3, s9;
	s6 =	sadd.s32 @!p0 $0x88, s6;
	s7 =	simm.s32 @p2 $0x1082  }
0x22: {  	[simem:s7], [sflag:s8] =	dma.local @!p0 [hbm:s6], $0xF7A  }
0x23: {  	s9 =	sor.u32 $0xD0000000, s2;
	s6 =	simm.s32 $0x108;
	_ =	swait.ge @!p0 [sflag:s8], $0x0  }
0x24: {  	s3 =	sadd.s32 $0x88, s3;
	s6 =	simm.s32 @!p1 $0x1082;
	[sflag:s4] =	ssyncset.s32 $0xFFFFF086  }
0x25: {  	[simem:s6], [sflag:s4] =	dma.local [hbm:s3], $0xF7A  }
0x26: {  	[smem:$0x3F9B] =	sst s1;
	(tag) =	ssettag s2;
	_ =	strace s9  }
0x27: {  	s1 =	sld [smem:$0x3FAB]  }
0x28: {  	s2 =	sld [smem:$0x3FAC]  }
0x29: {  	s4 =	sld [smem:$0x3FAE]  }
0x2a: {  	p0 =	seq.s32 s5, $0x0;
	s5 =	sld [smem:$0x3FAF]  }
0x2b: {  	s6 =	sld [smem:$0x3FB0]  }
0x2c: {  	s7 =	sld [smem:$0x3FB1]  }
0x2d: {  	s3 =	simm.s32 $0x108;
	s8 =	sld [smem:$0x3FB2]  }
0x2e: {  	s3 =	simm.s32 @!p0 $0x1082;
	s9 =	sld [smem:$0x3FB3]  }
0x2f: {  	lr =	sadd.s32 s0, s3;
	s0 =	sld [smem:$0x3FAA]  }
0x30: {  	s3 =	sld [smem:$0x3FAD]  }
0x31: {  	[smem:$0x3FB6] =	sst s10  }
0x32: {  	s10 =	sld [smem:$0x3FB4];
	_ =	sdelay $0x3  }
0x33: {  	p0 =	seq.s32 s10, $0x1;
	s10 =	sld [smem:$0x3FB6];
	_ =	sdelay $0x3  }
0x34: {  	[smem:$0x3FB6] =	sst s10  }
0x35: {  	s10 =	sld [smem:$0x3FB5];
	_ =	sdelay $0x3  }
0x36: {  	p1 =	seq.s32 s10, $0x1;
	s10 =	sld [smem:$0x3FB6];
	_ =	sdelay $0x3  }
0x37: {  	[smem:$0x3FB6] =	sst s10  }
0x38: {  	s10 =	sld [smem:$0x3FB7]  }
0x39: {  	_ = 	snop;
	(pc) =	sbr.ind lr, $3  }
0x3a: {  	_ = 	snop  }
0x3b: {  	_ = 	snop  }
0x3c: {  	p2 =	seq.s32 s10, $0x1;
	s10 =	sld [smem:$0x3FB6]  }
0x3d: {  	_ =	shalt  }
0x3e: {  	_ =	shalt  }
0x3f: {  	_ =	shalt  }
0x40: {  	_ =	shalt  }
0x41: {  	_ =	shalt  }
0x42: {  	_ =	shalt  }
0x43: {  	_ =	shalt  }
0x44: {  	_ =	shalt  }
0x45: {  	_ =	shalt  }
0x46: {  	_ =	shalt  }
0x47: {  	_ =	shalt  }
0x48: {  	_ =	shalt  }
0x49: {  	_ =	shalt  }
0x4a: {  	_ =	shalt  }
0x4b: {  	_ =	shalt  }
0x4c: {  	_ =	shalt  }
0x4d: {  	_ =	shalt  }
0x4e: {  	_ =	shalt  }
0x4f: {  	_ =	shalt  }
0x50: {  	_ =	shalt  }
0x51: {  	_ =	shalt  }
0x52: {  	_ =	shalt  }
0x53: {  	_ =	shalt  }
0x54: {  	_ =	shalt  }
0x55: {  	_ =	shalt  }
0x56: {  	_ =	shalt  }
0x57: {  	_ =	shalt  }
0x58: {  	_ =	shalt  }
0x59: {  	_ =	shalt  }
0x5a: {  	_ =	shalt  }
0x5b: {  	_ =	shalt  }
0x5c: {  	_ =	shalt  }
0x5d: {  	_ =	shalt  }
0x5e: {  	_ =	shalt  }
0x5f: {  	_ =	shalt  }
0x60: {  	_ =	shalt  }
0x61: {  	_ =	shalt  }
0x62: {  	_ =	shalt  }
0x63: {  	_ =	shalt  }
0x64: {  	_ =	shalt  }
0x65: {  	_ =	shalt  }
0x66: {  	_ =	shalt  }
0x67: {  	_ =	shalt  }
0x68: {  	_ =	shalt  }
0x69: {  	_ =	shalt  }
0x6a: {  	_ =	shalt  }
0x6b: {  	_ =	shalt  }
0x6c: {  	_ =	shalt  }
0x6d: {  	_ =	shalt  }
0x6e: {  	_ =	shalt  }
0x6f: {  	_ =	shalt  }
0x70: {  	_ =	shalt  }
0x71: {  	_ =	shalt  }
0x72: {  	_ =	shalt  }
0x73: {  	_ =	shalt  }
0x74: {  	_ =	shalt  }
0x75: {  	_ =	shalt  }
0x76: {  	_ =	shalt  }
0x77: {  	_ =	shalt  }
0x78: {  	_ =	shalt  }
0x79: {  	_ =	shalt  }
0x7a: {  	_ =	shalt  }
0x7b: {  	_ =	shalt  }
0x7c: {  	_ =	shalt  }
0x7d: {  	_ =	shalt  }
0x7e: {  	_ =	shalt  }
0x7f: {  	_ =	shalt  }
0x80: {  	_ =	shalt  }
0x81: {  	_ =	shalt  }
0x82: {  	_ =	shalt  }
0x83: {  	_ =	shalt  }
0x84: {  	_ =	shalt  }
0x85: {  	_ =	shalt  }
0x86: {  	_ =	shalt  }
0x87: {  	_ =	shalt  }
.Lfunc_end0:
.L_simem_size_0:
called_computation_lowered:
.L_overlay_start_0:
0x88: {  	s2 =	sld [smem:$0x3FD9]  }
0x89: {  	s3 =	sld [smem:$0x3FFE];
	_ =	sdelay $0x1  }
0x8a: {  	s1 =	srdreg.scid  }
0x8b: {  	s0 =	sand.u32 $0x1, s1  }
0x8c: {  	s17 =	sshll.u32 s0, $0xA;
	s2 =	sadd.s32 s3, s2  }
0x8d: {  	s2 =	sadd.s32 s2, s17  }
0x8e: {  	[smem:$0x3FC2] =	sst s2  }
0x8f: {  	_ = 	snop  }
0x90: {  	s2 =	sld [smem:$0x3FD0];
	(tm) =	ssettm $0x1  }
0x91: {  	s18 =	sld [smem:$0x3FFB];
	_ =	sdelay $0x3  }
0x92: {  	_ =	strace s18  }
0x93: {  	s3 =	sld [smem:$0x3FFC];
	_ =	sdelay $0x3  }
0x94: {  	_ =	strace s3  }
0x95: {  	s3 =	sld [smem:$0x3FFD];
	_ =	sdelay $0x3  }
0x96: {  	_ =	strace s3  }
0x97: {  	_ =	strace $0x8FFFFFFF  }
0x98: {  	s19 =	sld [smem:$0x3FDB];
	_ =	sdelay $0x1  }
0x99: {  	s4 =	simm.s32 $_scs_section_size  }
0x9a: {  	s5 =	simm.s32 $_size__tile_overlayer_lowered;
	s6 =	simm.s32 $_tile_overlayer_lowered  }
0x9b: {  	s22 =	simm.s32 $0x1BFF;
	s21 =	sshll.u32 s6, $0x1;
	s3 =	sadd.s32 s4, s19  }
0x9c: {  	s7 =	simm.s32 $0x0;
	s20 =	sshll.u32 s5, $0x1;
	s5 =	sadd.s32 s21, s3  }
0x9d: {  	[timem:s7], [sflag:s22] =	dma.local [hbm:s5], s20  }
0x9e: {  	_ =	swait.ge [sflag:s22], s20  }
0x9f: {  	s4 =	ssub.s32 $0x0, s20;
	[sflag:s22] =	ssyncset.done $0x0  }
0xa0: {  	[sflag:s22] =	ssyncadd.s32 s4;
	_ =	sdelay $0x1  }
0xa1: {  	s23 =	simm.s32 $0x1B8B  }
0xa2: {  	_ =	swait.ge [sflag:s23], $0x1  }
0xa3: {  	[sflag:s23] =	ssyncset.done $0x0  }
0xa4: {  	s25 =	simm.s32 $0x1B8E;
	s24 =	sld [smem:$0x3FFE];
	[sflag:s23] =	ssyncadd.s32 $0xFFFFFFFF  }
0xa5: {  	s26 =	simm.s32 $execute0_lowered;
	[smem:$0x3FD2] =	sst s25  }
0xa6: {  	s5 =	sshll.u32 s26, $0x1;
	_ =	strace $0x80000046;
	[dreg:$0x1] =	wrdreg $0xFFFFFFFF  }
0xa7: {  	s28 =	simm.s32 $_size_execute0_lowered;
	s3 =	sadd.s32 s3, s5;
	[dreg:$0x0] =	wrdreg $0x0  }
0xa8: {  	s5 =	sshll.u32 s28, $0x1;
	[dreg:$0x2] =	wrdreg s3  }
0xa9: {  	[dreg:$0x3] =	wrdreg s5  }
0xaa: {  	[dreg:$0x4] =	wrdreg $0xC0  }
0xab: {  	_ =	task [dreg:s7], $0x5FFFF  }
0xac: {  	[dreg:$0x1] =	wrdreg $0xFFFFFFFF  }
0xad: {  	[dreg:$0x0] =	wrdreg $0x60  }
0xae: {  	[dreg:$0x2] =	wrdreg s24  }
0xaf: {  	[dreg:$0x3] =	wrdreg s2  }
0xb0: {  	[dreg:$0x4] =	wrdreg $0x28800  }
0xb1: {  	[dreg:$0x5] =	wrdreg $0x9  }
0xb2: {  	_ =	task.clear_ibuf [dreg:s7], $0x6FFFF;
	_ =	strace $0x90000046  }
0xb3: {  	s29 =	simm.s32 $0x9;
	_ =	strace $0x80000048  }
0xb4: {  	_ =	swait.ge [sflag:s29], $0x1  }
0xb5: {  	[sflag:s29] =	ssyncadd.s32 $0xFFFFFFFF  }
0xb6: {  	_ =	strace $0x90000048  }
0xb7: {  	_ =	sfence  }
0xb8: {  	s30 =	sld [smem:$0x0];
	_ =	sdelay $0x2  }
0xb9: {  	s31 =	sshll.u32 s1, $0xD;
	s1 =	sshrl.u32 s1, $0x2  }
0xba: {  	s3 =	sand.u32 $0x4000, s31;
	s1 =	sadd.s32 s1, s30  }
0xbb: {  	s0 =	sor.u32 s3, s0;
	s1 =	sshll.u32 s1, $0x11  }
0xbc: {  	s0 =	sor.u32 s1, s0  }
0xbd: {  	s0 =	sadd.s32 $0x8F2B, s0  }
0xbe: {  	[sflag:s0] =	ssyncadd.remote.s32 $0x1  }
0xbf: {  	_ =	sfence.sel $0xFFFF  }
0xc0: {  	[dreg:$0x0] =	wrdreg $0xFFFFFFFF;
	(pc) =	sbr.abs _section_cstart, $3  }
0xc1: {  	[dreg:$0x1] =	wrdreg $0xFFFFFFFF  }
0xc2: {  	_ =	task.clear_ibuf [dreg:s7], $0x2FFFF;
	_ =	strace $0x9FFFFFFF  }
0xc3: {  	(tm) =	ssettm $0x7FFFFFFF  }
tec
execute0_lowered:
.L_overlay_start_1:
0x0: {  	(tag) =	ssettag $0x1  }
0x1: {  	s5 =	rddreg [dreg:$0x0]  }
0x2: {  	s6 =	rddreg [dreg:$0x1]  }
0x3: {  	s2 =	rddreg [dreg:$0x2]  }
0x4: {  	s0 =	rddreg [dreg:$0x3]  }
0x5: {  	s3 =	srdreg.scid;
	s1 =	stileid.u32;
	s13 =	simm.s32 $0x80  }
0x6: {  	s14 =	simm.s32 $0x1;
	s15 =	simm.s32 $0x0;
	s4 =	sand.u32 $0x1, s3  }
0x7: {  	s7 =	sshll.u32 s1, $0x1;
	s8 =	smul.u32 $0x280, s1;
	s3 =	simm.s32 $0x0  }
0x8: {  	s11 =	sshll.u32 s1, $0x6;
	s7 =	sor.u32 s4, s7;
	s9 =	smul.u32 $0x2800, s4  }
0x9: {  	[smem:$0x7FF] =	sst s3;
	s10 =	ssub.s32 $0x2, s4;
	s4 =	sadd.s32 $0xC200, s5  }
0xa: {  	s7 =	smul.u32 $0x500, s7;
	_ =	strace $0x80000047;
	s30 =	sshrl.u32 s10, $0x1  }
0xb: {  	s31 =	sshrl.u32 s8, $0x3;
	s12 =	sadd.s32 s8, s2;
	s9 =	sadd.s32 s8, s9  }
0xc: {  	s10 =	ssub.s32 s10, s30;
	s7 =	sadd.s32 s7, s5;
	s9 =	sshrl.u32 s9, $0x3  }
0xd: {  	s9 =	sadd.s32 s9, s5;
	s5 =	sadd.s32 s6, s31;
	s6 =	sor.u32 $0x1C02, s11  }
0xe: {  	s7 =	sadd.s32 $0x2200, s7;
	s11 =	simm.s32 $0x2;
	s8 =	sadd.s32 $0xC400, s9  }
0xf: {  	s9 =	smax.u32 s10, $0x1;
	s10 =	sshrl.u32 s12, $0x3;
	s12 =	simm.s32 $0x2800  }
.LBB2_1:
0x10: {  	[spmem:s10], [sflag:s6] =	dma.local [hbm:s5], $0x50  }
0x11: {  	_ =	swait.ge [sflag:s11], $0x50  }
0x12: {  	[sflag:s11] =	ssyncset.done $0x0  }
0x13: {  	[sflag:s11] =	ssyncadd.s32 $0xFFFFFFB0  }
0x14: {  	[tilespmem:s3], [sflag:$0x2] =	stream.linear.gather [hbm4b:s7+s3], $0x2800, $0x38;
	[tilespmem:$0x2B00] =	vst v63  }
0x15: {  	_ =	swait.ge [sflag:s11], $0x2800  }
0x16: {  	[sflag:s11] =	ssyncset.done $0x0  }
0x17: {  	[sflag:s11] =	ssyncadd.s32 $0xFFFFD800  }
0x18: {  	[tilespmem:s12], [sflag:$0x2] =	stream.linear.gather [hbm4b:s4+s3], $0x80, $0x38;
	[tilespmem:$0x2B00] =	vst v63  }
0x19: {  	_ =	swait.ge [sflag:s11], $0x80  }
0x1a: {  	[sflag:s11] =	ssyncset.done $0x0  }
0x1b: {  	[sflag:s11] =	ssyncadd.s32 $0xFFFFFF80  }
0x1c: {  	s16 =	simm.s32 $0x0;
	[bflag:$0x0] =	sbarrier.arrive $0xFFFF  }
.LBB2_2:
0x1d: {  	p0 =	sne.s32 s16, $0x9E00  }
.Ltmp0:
0x1e: {  	_ = 	snop;
	(pc) =	sbr.rel @p0 .LBB2_2-.Ltmp0, $3  }
0x1f: {  	_ =	sdelay $0x1  }
0x20: {  	s17 =	sshra.s32 s16, $0x2;
	s16 =	sadd.s32 $0x200, s16  }
0x21: {  	[spmem:s2] =	stream.indirect.scatter.add.f32 [tilespmem:s12], [sflag:$0x1], $0x1, s17, s13, $0xb8;
	[tilespmem:$0x2B00] =	vst v63  }
0x22: {  	_ =	swait.ge [sflag:s14], $0x80  }
0x23: {  	s16 =	simm.s32 $0x4F;
	[sflag:s14] =	ssyncset.done $0x0  }
.LBB2_4:
0x24: {  	p0 =	sne.s32 s16, $0x1;
	s16 =	sadd.s32 $0xFFFFFFFF, s16;
	[sflag:s14] =	ssyncadd.s32 $0xFFFFFF80  }
.Ltmp1:
0x25: {  	(pc) =	sbr.rel @p0 .LBB2_4-.Ltmp1, $3  }
0x26: {  	_ =	sdelay $0x1  }
0x27: {  	_ =	swait.ge [sflag:s14], $0x80  }
0x28: {  	[sflag:s14] =	ssyncset.done $0x0  }
0x29: {  	s15 =	sadd.s32 $0x1, s15  }
0x2a: {  	[sflag:s14] =	ssyncadd.s32 $0xFFFFFF80;
	p0 =	sne.s32 s15, s9  }
.Ltmp2:
0x2b: {  	[bflag:$0x0] =	sbarrier.arrive $0xFFFF;
	(pc) =	sbr.rel @p0 .LBB2_1-.Ltmp2, $4  }
0x2c: {  	[hbm:s8], [sflag:s6] =	dma.local [spmem:s10], $0x50  }
0x2d: {  	_ =	swait.ge [sflag:s11], $0x50  }
0x2e: {  	[sflag:s11] =	ssyncset.done $0x0  }
0x2f: {  	[sflag:s11] =	ssyncadd.s32 $0xFFFFFFB0  }
0x30: {  	_ =	sfence.sel $0x180000  }
0x31: {  	[bflag:$0x0] =	sbarrier.arrive $0xFFFF  }
0x32: {  	p0 =	sne.s32 s1, $0x0;
	_ =	strace $0x90000047  }
0x33: {  	s0 =	sadd.s32 @!p0 $0x100000, s0;
	[bflag:$0x2] =	sbarrier.arrive $0xFFFF  }
0x34: {  	[sflag:s0] =	ssyncadd.tile.s32 @!p0 $0x1;
	_ =	shalt  }
.Lfunc_end2:
_tile_overlayer_lowered:
.L_overlay_start_2:
0x35: {  	(tag) =	ssettag $0x2  }
0x36: {  	s0 =	rddreg [dreg:$0x0];
	s2 =	stileid.u32  }
0x37: {  	s1 =	rddreg [dreg:$0x1];
	p0 =	sne.s32 s2, $0x0  }
0x38: {  	s3 =	rddreg [dreg:$0x2];
	[bflag:$0x3] =	sbarrier.arrive $0xFFFF;
	s2 =	simm.s32 @!p0 $0x1C02  }
0x39: {  	[timem:s3], [sflag:s2] =	dma.local @!p0 [hbm:s0], s1  }
0x3a: {  	s0 =	simm.s32 @!p0 $0x2  }
0x3b: {  	_ =	swait.ge @!p0 [sflag:s0], s1  }
0x3c: {  	s1 =	ssub.s32 @!p0 $0x0, s1;
	[sflag:s0] =	ssyncset.done @!p0 $0x0  }
0x3d: {  	[sflag:s0] =	ssyncadd.s32 @!p0 s1  }
0x3e: {  	[bflag:$0x3] =	sbarrier.arrive $0xFFFF  }
0x3f: {  	_ =	shalt  }

</sc_bundles>
